<compile_context>
chip_gen: v7x
topology: tpu7x:2x2x1
jax: 0.10.2.dev20260603
libtpu: 0.0.44.dev20260713+nightly
codegen_flags: <defaults>
</compile_context>

<pallas_src>
import functools

import jax
import jax.numpy as jnp
from jax import lax
from jax.experimental import pallas as pl
from jax.experimental.pallas import tpu as pltpu
from jax.experimental.pallas import tpu_sc as plsc

EPS = 1e-8
NUM_CLASSES = 100
K_STATIC = 2048
N = 8192
D = 64
HI = lax.Precision.HIGHEST


def _rowdot(x):
    acc = x[0:8] + x[8:16]
    for k in range(2, 8):
        acc = acc + x[8 * k:8 * k + 8]
    t = acc[0:4] + acc[4:8]
    t = t[0:2] + t[2:4]
    t = t[0:1] + t[1:2]
    return t


def _tc_diversity_kernel(ft_ref, out_ref):
    ft = ft_ref[...]
    nsqf = _rowdot(ft * ft)
    f_norm = jnp.sqrt(nsqf)
    maxf = jnp.maximum(f_norm, EPS)
    fnt = ft / maxf
    fnb = fnt.astype(jnp.bfloat16).astype(jnp.float32)
    g = jnp.sum(fnb, axis=1, keepdims=True)
    row_sum = _rowdot(fnb * g)
    diag = _rowdot(fnb * fnb)
    div_mean = (row_sum - diag) / jnp.float32(N - 1)
    part_b = (jnp.float32(1.0) - div_mean) * jnp.float32(0.3)
    out_ref[...] = jnp.concatenate(
        [maxf, part_b, jnp.zeros((6, N), jnp.float32)], axis=0)


def _tc_kernel(ft_ref, labr_ref, cst_ref, div_ref, out_ref):
    ft = ft_ref[...]
    labr = labr_ref[...]
    cst = cst_ref[...]
    maxf = div_ref[0:1, :]
    part_b = div_ref[1:2, :]

    onehot = (lax.broadcasted_iota(jnp.int32, (128, N), 0) == labr).astype(jnp.float32)
    counts = jnp.transpose(jnp.sum(onehot, axis=1, keepdims=True))
    centt = cst / jnp.maximum(counts, 1.0)
    ct = lax.dot_general(centt, onehot, (((1,), (0,)), ((), ())), precision=HI)

    nsqc = _rowdot(ct * ct)
    prod = _rowdot(ft * ct)
    c_norm = jnp.sqrt(nsqc)
    maxc = jnp.maximum(c_norm, EPS)
    dist = prod / (maxf * maxc)
    quality = dist * jnp.float32(0.7) + part_b

    qi = lax.bitcast_convert_type(quality, jnp.int32)
    v = jnp.where(qi >= 0, qi, jnp.int32(-1) - (qi ^ jnp.int32(-2147483648)))
    idx = lax.broadcasted_iota(jnp.int32, (1, N), 1)

    def tbody(b, t):
        trial = jnp.where(b == 0, jnp.int32(0), t + (jnp.int32(1) << (31 - b)))
        cnt = jnp.sum((v >= trial).astype(jnp.int32))
        return jnp.where(cnt >= K_STATIC, trial, t)

    t = lax.fori_loop(0, 32, tbody, jnp.int32(-2147483648))
    count_gt = jnp.sum((v > t).astype(jnp.int32))
    need = K_STATIC - count_gt
    ties = (v == t)

    def cbody(b, c):
        trial = c + (jnp.int32(1) << (12 - b))
        cnt = jnp.sum((ties & (idx <= trial)).astype(jnp.int32))
        return jnp.where(cnt < need, trial, c)

    c = lax.fori_loop(0, 13, cbody, jnp.int32(-1))
    sel = (v > t) | (ties & (idx <= c + 1))
    self32 = sel.astype(jnp.float32)

    pinc = self32
    for s in [1, 2, 4, 8, 16, 32, 64, 128, 256, 512, 1024, 2048, 4096]:
        pinc = pinc + jnp.concatenate(
            [jnp.zeros((1, s), jnp.float32), pinc[:, :N - s]], axis=1)
    p = pinc - self32

    b3 = ((v >> 24) + 128).astype(jnp.float32)
    r24 = v & jnp.int32(0x00FFFFFF)
    b2 = (r24 >> 16).astype(jnp.float32)
    b1 = ((r24 >> 8) & 255).astype(jnp.float32)
    b0 = (r24 & 255).astype(jnp.float32)
    ih = (idx >> 8).astype(jnp.float32)
    il = (idx & 255).astype(jnp.float32)
    payload = jnp.concatenate([b3, b2, b1, b0, ih, il, jnp.zeros((2, N), jnp.float32)], axis=0)

    j_iota = lax.broadcasted_iota(jnp.int32, (K_STATIC, N), 0)
    m_t = jnp.where((p.astype(jnp.int32) == j_iota) & sel, 1.0, 0.0)
    comp = lax.dot_general(m_t, payload, (((1,), (1,)), ((), ())))
    cb3 = comp[:, 0:1]
    cb2 = comp[:, 1:2]
    cb1 = comp[:, 2:3]
    cb0 = comp[:, 3:4]
    cih = comp[:, 4:5]
    cil = comp[:, 5:6]
    cvh = cb3 * 256.0 + cb2
    cvl = cb1 * 256.0 + cb0
    cidx = cih * 256.0 + cil

    rvh = jnp.transpose(cvh)
    rvl = jnp.transpose(cvl)
    ridx = jnp.transpose(cidx)
    gt = (rvh > cvh) | ((rvh == cvh) & ((rvl > cvl) | ((rvl == cvl) & (ridx < cidx))))
    rank = jnp.sum(gt.astype(jnp.float32), axis=1, keepdims=True)

    p_t = jnp.where(jnp.transpose(rank).astype(jnp.int32)
                    == lax.broadcasted_iota(jnp.int32, (K_STATIC, K_STATIC), 0), 1.0, 0.0)
    outcols = jnp.concatenate([cih, cil, jnp.zeros((K_STATIC, 6), jnp.float32)], axis=1)
    res = lax.dot_general(p_t, outcols, (((1,), (0,)), ((), ())))
    out_ref[...] = res


def _tc_topk(features_t, labels_row, cent_t_pad):
    div = pl.pallas_call(
        _tc_diversity_kernel,
        out_shape=jax.ShapeDtypeStruct((8, N), jnp.float32),
    )(features_t)
    return pl.pallas_call(
        _tc_kernel,
        out_shape=jax.ShapeDtypeStruct((K_STATIC, 8), jnp.float32),
    )(features_t, labels_row, cent_t_pad, div)


def _sc_gather(table, idx):
    info = plsc.get_sparse_core_info()
    nw = info.num_cores * info.num_subcores
    b_per_w = K_STATIC // nw
    mesh = plsc.VectorSubcoreMesh(core_axis_name="c", subcore_axis_name="s")

    @functools.partial(
        pl.kernel, mesh=mesh,
        out_type=jax.ShapeDtypeStruct((K_STATIC, 128), jnp.float32),
        scratch_types=[
            pltpu.VMEM((b_per_w,), jnp.int32),
            pltpu.VMEM((b_per_w, 128), jnp.float32),
            pltpu.SemaphoreType.DMA,
        ],
    )
    def k(table_hbm, idx_hbm, out_hbm, idx_v, rows_v, sem):
        wid = lax.axis_index("s") * info.num_cores + lax.axis_index("c")
        base = wid * b_per_w
        pltpu.sync_copy(idx_hbm.at[pl.ds(base, b_per_w)], idx_v)
        pltpu.async_copy(table_hbm.at[idx_v], rows_v, sem).wait()
        pltpu.sync_copy(rows_v, out_hbm.at[pl.ds(base, b_per_w)])

    return k(table, idx)


def kernel(inputs, labels, features, k):
    class_sum = jax.ops.segment_sum(features, labels, num_segments=NUM_CLASSES)
    cs_pad = jnp.pad(class_sum, ((0, 128 - NUM_CLASSES), (0, 0)))
    res = _tc_topk(features.T, labels[None, :].astype(jnp.int32), cs_pad.T)
    out_idx = (res[:, 0] * 256.0 + res[:, 1]).astype(jnp.int32)
    table = jnp.pad(inputs, ((0, 0), (0, 128 - D)))
    rows = _sc_gather(table, out_idx)[:, :D]
    out_labels = labels[out_idx]
    return (rows, out_labels)

# --- scband reference (transcript-rebuilt; emitter-appended) ---
"""Pipeline reference for scband-coreadaptive-selection-34806414967392 (READ-ONLY COPY).

The authoritative reference and input builder live on the scoring server;
editing this copy changes nothing except your own understanding.
"""

import jax, jax.numpy as jnp
import numpy as np

EPS = 1e-8
NUM_CLASSES = 100
K_STATIC = 2048


def setup_inputs(seed: int = 0) -> dict:
    key = jax.random.key(seed)
    k1, k2, k3 = jax.random.split(key, 3)
    inputs = jax.random.normal(k1, (8192, 64), dtype=jnp.float32)
    labels = jax.random.randint(k2, (8192,), 0, NUM_CLASSES)
    features = jax.random.normal(k3, (8192, 64), dtype=jnp.float32)
    return {"inputs": inputs, "labels": labels, "features": features, "k": 2048}


def reference(inputs, labels, features, k):
    N = features.shape[0]
    # Per-class centroid (includes sample i itself, matching the torch loop)
    counts = jnp.bincount(labels, length=NUM_CLASSES).astype(features.dtype)
    class_sum = jax.ops.segment_sum(features, labels, num_segments=NUM_CLASSES)
    centroids = class_sum / jnp.maximum(counts, 1.0)[:, None]
    cent_i = centroids[labels]  # [N, d] gather
    # cosine_similarity(features[i], centroid_i) with torch eps semantics
    f_norm = jnp.linalg.norm(features, axis=1)
    c_norm = jnp.linalg.norm(cent_i, axis=1)
    dist_to_centroid = jnp.sum(features * cent_i, axis=1) / (
        jnp.maximum(f_norm, EPS) * jnp.maximum(c_norm, EPS)
    )
    # diversity: 1 - mean_{j != i} cosine(f_i, f_j)
    fn = features / jnp.maximum(f_norm, EPS)[:, None]
    S = fn @ fn.T  # [N, N] pairwise cosine
    div_mean = (jnp.sum(S, axis=1) - jnp.diag(S)) / (N - 1)
    diversity = 1.0 - div_mean
    quality = dist_to_centroid * 0.7 + diversity * 0.3
    quality = quality + 0.0 * jnp.asarray(k, dtype=quality.dtype)
    _, idx = jax.lax.top_k(quality, K_STATIC)
    return (inputs[idx], labels[idx])

if __name__ == "__main__":
    import jax
    _d = setup_inputs()
    print(jax.jit(kernel)(*tuple(_d.values())))

</pallas_src>

<mosaic_0001>
#map = affine_map<(d0, d1) -> (0, 0)>
#map1 = affine_map<(d0, d1) -> (0)>
module attributes {stable_mosaic.version = 14 : i64} {
  func.func @k(%arg0: i32, %arg1: i32, %arg2: memref<8192x128xf32, #tpu.memory_space<hbm>>, %arg3: memref<2048xi32, #tpu.memory_space<hbm>>, %arg4: memref<2048x128xf32, #tpu.memory_space<hbm>>, %arg5: memref<64xi32, #tpu.memory_space<vmem>>, %arg6: memref<64x128xf32, #tpu.memory_space<vmem>>, %arg7: memref<!tpu.dma_semaphore, #tpu.memory_space<semaphore_mem>>) attributes {dimension_semantics = [#tpu.dimension_semantics<core_parallel>, #tpu.dimension_semantics<subcore_parallel>], iteration_bounds = array<i64: 2, 16>, scalar_prefetch = 0 : i64, scratch_operands = 3 : i64, tpu.core_type = #tpu.core_type<sc_vector_subcore>, window_params = [{transform_indices = #map}, {transform_indices = #map1}, {transform_indices = #map}]} {
    %mul3A = arith.constant 2 : i32
    %mul3A_0 = arith.muli %arg1, %mul3A : i32
    %add3A = arith.addi %mul3A_0, %arg0 : i32
    %mul3A_1 = arith.constant 64 : i32
    %mul3A_2 = arith.muli %add3A, %mul3A_1 : i32
    "tpu.region"() ({
      %run_scoped3A = tpu.sem_alloc : memref<!tpu.dma_semaphore, #tpu.memory_space<semaphore_mem>>
      %dma_start3A_7 = tpu.memref_slice %arg3[%mul3A_2] : memref<2048xi32, #tpu.memory_space<hbm>> -> memref<64xi32, #tpu.memory_space<hbm>>
      %dma_start3A_8 = tpu.memref_slice %arg3[%mul3A_2] : memref<2048xi32, #tpu.memory_space<hbm>> -> memref<64xi32, #tpu.memory_space<hbm>>
      tpu.enqueue_dma source(%dma_start3A_8 : memref<64xi32, #tpu.memory_space<hbm>>) target(%arg5 : memref<64xi32, #tpu.memory_space<vmem>>) target_semaphore(%run_scoped3A : memref<!tpu.dma_semaphore, #tpu.memory_space<semaphore_mem>>)
      %dma_wait3A_9 = tpu.memref_slice %arg3[%mul3A_2] : memref<2048xi32, #tpu.memory_space<hbm>> -> memref<64xi32, #tpu.memory_space<hbm>>
      %dma_wait3A_10 = tpu.memref_slice %arg3[%mul3A_2] : memref<2048xi32, #tpu.memory_space<hbm>> -> memref<64xi32, #tpu.memory_space<hbm>>
      tpu.wait_dma2 semaphore(%run_scoped3A : memref<!tpu.dma_semaphore, #tpu.memory_space<semaphore_mem>>) src(%dma_wait3A_10 : memref<64xi32, #tpu.memory_space<hbm>>) dst(%arg5 : memref<64xi32, #tpu.memory_space<vmem>>)
      tpu.yield
    }) : () -> ()
    %dma_start3A = arith.constant 0 : i32
    %dma_start3A_3 = arith.constant 0 : i32
    %dma_start3A_4 = tpu.memref_slice %arg2[%dma_start3A, %dma_start3A_3] : memref<8192x128xf32, #tpu.memory_space<hbm>> -> memref<8192x128xf32, #tpu.memory_space<hbm>>
    tpu.enqueue_indirect_dma source(%dma_start3A_4 : memref<8192x128xf32, #tpu.memory_space<hbm>>) target(%arg6 : memref<64x128xf32, #tpu.memory_space<vmem>>) offsets(%arg5 : memref<64xi32, #tpu.memory_space<vmem>>) semaphore(%arg7 : memref<!tpu.dma_semaphore, #tpu.memory_space<semaphore_mem>>)
    %dma_wait3A = arith.constant 0 : i32
    %dma_wait3A_5 = arith.constant 0 : i32
    %dma_wait3A_6 = tpu.memref_slice %arg2[%dma_wait3A, %dma_wait3A_5] : memref<8192x128xf32, #tpu.memory_space<hbm>> -> memref<8192x128xf32, #tpu.memory_space<hbm>>
    tpu.wait_indirect_dma semaphore(%arg7 : memref<!tpu.dma_semaphore, #tpu.memory_space<semaphore_mem>>) src(%dma_wait3A_6 : memref<8192x128xf32, #tpu.memory_space<hbm>>) dst(%arg6 : memref<64x128xf32, #tpu.memory_space<vmem>>)
    "tpu.region"() ({
      %run_scoped3A = tpu.sem_alloc : memref<!tpu.dma_semaphore, #tpu.memory_space<semaphore_mem>>
      %dma_start3A_7 = arith.constant 0 : i32
      %dma_start3A_8 = tpu.memref_slice %arg4[%mul3A_2, %dma_start3A_7] : memref<2048x128xf32, #tpu.memory_space<hbm>> -> memref<64x128xf32, #tpu.memory_space<hbm>>
      %dma_start3A_9 = arith.constant 0 : i32
      %dma_start3A_10 = tpu.memref_slice %arg4[%mul3A_2, %dma_start3A_9] : memref<2048x128xf32, #tpu.memory_space<hbm>> -> memref<64x128xf32, #tpu.memory_space<hbm>>
      tpu.enqueue_dma source(%arg6 : memref<64x128xf32, #tpu.memory_space<vmem>>) target(%dma_start3A_10 : memref<64x128xf32, #tpu.memory_space<hbm>>) target_semaphore(%run_scoped3A : memref<!tpu.dma_semaphore, #tpu.memory_space<semaphore_mem>>)
      %dma_wait3A_11 = arith.constant 0 : i32
      %dma_wait3A_12 = tpu.memref_slice %arg4[%mul3A_2, %dma_wait3A_11] : memref<2048x128xf32, #tpu.memory_space<hbm>> -> memref<64x128xf32, #tpu.memory_space<hbm>>
      %dma_wait3A_13 = arith.constant 0 : i32
      %dma_wait3A_14 = tpu.memref_slice %arg4[%mul3A_2, %dma_wait3A_13] : memref<2048x128xf32, #tpu.memory_space<hbm>> -> memref<64x128xf32, #tpu.memory_space<hbm>>
      tpu.wait_dma2 semaphore(%run_scoped3A : memref<!tpu.dma_semaphore, #tpu.memory_space<semaphore_mem>>) src(%arg6 : memref<64x128xf32, #tpu.memory_space<vmem>>) dst(%dma_wait3A_14 : memref<64x128xf32, #tpu.memory_space<hbm>>)
      tpu.yield
    }) : () -> ()
    return
  }
}

module attributes {stable_mosaic.version = 14 : i64} {
  func.func @_tc_diversity_kernel(%arg0: memref<64x8192xf32, #tpu.memory_space<vmem>>, %arg1: memref<8x8192xf32, #tpu.memory_space<vmem>>) attributes {dimension_semantics = [], scalar_prefetch = 0 : i64, scratch_operands = 0 : i64, tpu.core_type = #tpu.core_type<tc>} {
    %get3A = arith.constant 0 : index
    %get3A_0 = arith.constant 0 : index
    %get3A_1 = vector.load %arg0[%get3A, %get3A_0] : memref<64x8192xf32, #tpu.memory_space<vmem>>, vector<64x8192xf32>
    %mul3A = arith.mulf %get3A_1, %get3A_1 : vector<64x8192xf32>
    %slice3A = vector.extract_strided_slice %mul3A {offsets = [0, 0], sizes = [8, 8192], strides = [1, 1]} : vector<64x8192xf32> to vector<8x8192xf32>
    %slice3A_2 = vector.extract_strided_slice %mul3A {offsets = [8, 0], sizes = [8, 8192], strides = [1, 1]} : vector<64x8192xf32> to vector<8x8192xf32>
    %add3A = arith.addf %slice3A, %slice3A_2 : vector<8x8192xf32>
    %slice3A_3 = vector.extract_strided_slice %mul3A {offsets = [16, 0], sizes = [8, 8192], strides = [1, 1]} : vector<64x8192xf32> to vector<8x8192xf32>
    %add3A_4 = arith.addf %add3A, %slice3A_3 : vector<8x8192xf32>
    %slice3A_5 = vector.extract_strided_slice %mul3A {offsets = [24, 0], sizes = [8, 8192], strides = [1, 1]} : vector<64x8192xf32> to vector<8x8192xf32>
    %add3A_6 = arith.addf %add3A_4, %slice3A_5 : vector<8x8192xf32>
    %slice3A_7 = vector.extract_strided_slice %mul3A {offsets = [32, 0], sizes = [8, 8192], strides = [1, 1]} : vector<64x8192xf32> to vector<8x8192xf32>
    %add3A_8 = arith.addf %add3A_6, %slice3A_7 : vector<8x8192xf32>
    %slice3A_9 = vector.extract_strided_slice %mul3A {offsets = [40, 0], sizes = [8, 8192], strides = [1, 1]} : vector<64x8192xf32> to vector<8x8192xf32>
    %add3A_10 = arith.addf %add3A_8, %slice3A_9 : vector<8x8192xf32>
    %slice3A_11 = vector.extract_strided_slice %mul3A {offsets = [48, 0], sizes = [8, 8192], strides = [1, 1]} : vector<64x8192xf32> to vector<8x8192xf32>
    %add3A_12 = arith.addf %add3A_10, %slice3A_11 : vector<8x8192xf32>
    %slice3A_13 = vector.extract_strided_slice %mul3A {offsets = [56, 0], sizes = [8, 8192], strides = [1, 1]} : vector<64x8192xf32> to vector<8x8192xf32>
    %add3A_14 = arith.addf %add3A_12, %slice3A_13 : vector<8x8192xf32>
    %slice3A_15 = vector.extract_strided_slice %add3A_14 {offsets = [0, 0], sizes = [4, 8192], strides = [1, 1]} : vector<8x8192xf32> to vector<4x8192xf32>
    %slice3A_16 = vector.extract_strided_slice %add3A_14 {offsets = [4, 0], sizes = [4, 8192], strides = [1, 1]} : vector<8x8192xf32> to vector<4x8192xf32>
    %add3A_17 = arith.addf %slice3A_15, %slice3A_16 : vector<4x8192xf32>
    %slice3A_18 = vector.extract_strided_slice %add3A_17 {offsets = [0, 0], sizes = [2, 8192], strides = [1, 1]} : vector<4x8192xf32> to vector<2x8192xf32>
    %slice3A_19 = vector.extract_strided_slice %add3A_17 {offsets = [2, 0], sizes = [2, 8192], strides = [1, 1]} : vector<4x8192xf32> to vector<2x8192xf32>
    %add3A_20 = arith.addf %slice3A_18, %slice3A_19 : vector<2x8192xf32>
    %slice3A_21 = vector.extract_strided_slice %add3A_20 {offsets = [0, 0], sizes = [1, 8192], strides = [1, 1]} : vector<2x8192xf32> to vector<1x8192xf32>
    %slice3A_22 = vector.extract_strided_slice %add3A_20 {offsets = [1, 0], sizes = [1, 8192], strides = [1, 1]} : vector<2x8192xf32> to vector<1x8192xf32>
    %add3A_23 = arith.addf %slice3A_21, %slice3A_22 : vector<1x8192xf32>
    %sqrt3A = math.sqrt %add3A_23 : vector<1x8192xf32>
    %max3A = arith.constant 9.99999993E-9 : f32
    %max3A_24 = vector.broadcast %max3A : f32 to vector<1x8192xf32>
    %max3A_25 = arith.maximumf %sqrt3A, %max3A_24 : vector<1x8192xf32>
    %div3A = vector.broadcast %max3A_25 : vector<1x8192xf32> to vector<64x8192xf32>
    %div3A_26 = arith.divf %get3A_1, %div3A : vector<64x8192xf32>
    %convert_element_type3A = arith.truncf %div3A_26 : vector<64x8192xf32> to vector<64x8192xbf16>
    %convert_element_type3A_27 = arith.extf %convert_element_type3A : vector<64x8192xbf16> to vector<64x8192xf32>
    %reduce_sum3A = arith.constant dense<0.000000e+00> : vector<64xf32>
    %reduce_sum3A_28 = vector.multi_reduction <add>, %convert_element_type3A_27, %reduce_sum3A [1] : vector<64x8192xf32> to vector<64xf32>
    %broadcast_in_dim3A = vector.shape_cast %reduce_sum3A_28 : vector<64xf32> to vector<64x1xf32>
    %mul3A_29 = vector.broadcast %broadcast_in_dim3A : vector<64x1xf32> to vector<64x8192xf32>
    %mul3A_30 = arith.mulf %convert_element_type3A_27, %mul3A_29 : vector<64x8192xf32>
    %slice3A_31 = vector.extract_strided_slice %mul3A_30 {offsets = [0, 0], sizes = [8, 8192], strides = [1, 1]} : vector<64x8192xf32> to vector<8x8192xf32>
    %slice3A_32 = vector.extract_strided_slice %mul3A_30 {offsets = [8, 0], sizes = [8, 8192], strides = [1, 1]} : vector<64x8192xf32> to vector<8x8192xf32>
    %add3A_33 = arith.addf %slice3A_31, %slice3A_32 : vector<8x8192xf32>
    %slice3A_34 = vector.extract_strided_slice %mul3A_30 {offsets = [16, 0], sizes = [8, 8192], strides = [1, 1]} : vector<64x8192xf32> to vector<8x8192xf32>
    %add3A_35 = arith.addf %add3A_33, %slice3A_34 : vector<8x8192xf32>
    %slice3A_36 = vector.extract_strided_slice %mul3A_30 {offsets = [24, 0], sizes = [8, 8192], strides = [1, 1]} : vector<64x8192xf32> to vector<8x8192xf32>
    %add3A_37 = arith.addf %add3A_35, %slice3A_36 : vector<8x8192xf32>
    %slice3A_38 = vector.extract_strided_slice %mul3A_30 {offsets = [32, 0], sizes = [8, 8192], strides = [1, 1]} : vector<64x8192xf32> to vector<8x8192xf32>
    %add3A_39 = arith.addf %add3A_37, %slice3A_38 : vector<8x8192xf32>
    %slice3A_40 = vector.extract_strided_slice %mul3A_30 {offsets = [40, 0], sizes = [8, 8192], strides = [1, 1]} : vector<64x8192xf32> to vector<8x8192xf32>
    %add3A_41 = arith.addf %add3A_39, %slice3A_40 : vector<8x8192xf32>
    %slice3A_42 = vector.extract_strided_slice %mul3A_30 {offsets = [48, 0], sizes = [8, 8192], strides = [1, 1]} : vector<64x8192xf32> to vector<8x8192xf32>
    %add3A_43 = arith.addf %add3A_41, %slice3A_42 : vector<8x8192xf32>
    %slice3A_44 = vector.extract_strided_slice %mul3A_30 {offsets = [56, 0], sizes = [8, 8192], strides = [1, 1]} : vector<64x8192xf32> to vector<8x8192xf32>
    %add3A_45 = arith.addf %add3A_43, %slice3A_44 : vector<8x8192xf32>
    %slice3A_46 = vector.extract_strided_slice %add3A_45 {offsets = [0, 0], sizes = [4, 8192], strides = [1, 1]} : vector<8x8192xf32> to vector<4x8192xf32>
    %slice3A_47 = vector.extract_strided_slice %add3A_45 {offsets = [4, 0], sizes = [4, 8192], strides = [1, 1]} : vector<8x8192xf32> to vector<4x8192xf32>
    %add3A_48 = arith.addf %slice3A_46, %slice3A_47 : vector<4x8192xf32>
    %slice3A_49 = vector.extract_strided_slice %add3A_48 {offsets = [0, 0], sizes = [2, 8192], strides = [1, 1]} : vector<4x8192xf32> to vector<2x8192xf32>
    %slice3A_50 = vector.extract_strided_slice %add3A_48 {offsets = [2, 0], sizes = [2, 8192], strides = [1, 1]} : vector<4x8192xf32> to vector<2x8192xf32>
    %add3A_51 = arith.addf %slice3A_49, %slice3A_50 : vector<2x8192xf32>
    %slice3A_52 = vector.extract_strided_slice %add3A_51 {offsets = [0, 0], sizes = [1, 8192], strides = [1, 1]} : vector<2x8192xf32> to vector<1x8192xf32>
    %slice3A_53 = vector.extract_strided_slice %add3A_51 {offsets = [1, 0], sizes = [1, 8192], strides = [1, 1]} : vector<2x8192xf32> to vector<1x8192xf32>
    %add3A_54 = arith.addf %slice3A_52, %slice3A_53 : vector<1x8192xf32>
    %mul3A_55 = arith.mulf %convert_element_type3A_27, %convert_element_type3A_27 : vector<64x8192xf32>
    %slice3A_56 = vector.extract_strided_slice %mul3A_55 {offsets = [0, 0], sizes = [8, 8192], strides = [1, 1]} : vector<64x8192xf32> to vector<8x8192xf32>
    %slice3A_57 = vector.extract_strided_slice %mul3A_55 {offsets = [8, 0], sizes = [8, 8192], strides = [1, 1]} : vector<64x8192xf32> to vector<8x8192xf32>
    %add3A_58 = arith.addf %slice3A_56, %slice3A_57 : vector<8x8192xf32>
    %slice3A_59 = vector.extract_strided_slice %mul3A_55 {offsets = [16, 0], sizes = [8, 8192], strides = [1, 1]} : vector<64x8192xf32> to vector<8x8192xf32>
    %add3A_60 = arith.addf %add3A_58, %slice3A_59 : vector<8x8192xf32>
    %slice3A_61 = vector.extract_strided_slice %mul3A_55 {offsets = [24, 0], sizes = [8, 8192], strides = [1, 1]} : vector<64x8192xf32> to vector<8x8192xf32>
    %add3A_62 = arith.addf %add3A_60, %slice3A_61 : vector<8x8192xf32>
    %slice3A_63 = vector.extract_strided_slice %mul3A_55 {offsets = [32, 0], sizes = [8, 8192], strides = [1, 1]} : vector<64x8192xf32> to vector<8x8192xf32>
    %add3A_64 = arith.addf %add3A_62, %slice3A_63 : vector<8x8192xf32>
    %slice3A_65 = vector.extract_strided_slice %mul3A_55 {offsets = [40, 0], sizes = [8, 8192], strides = [1, 1]} : vector<64x8192xf32> to vector<8x8192xf32>
    %add3A_66 = arith.addf %add3A_64, %slice3A_65 : vector<8x8192xf32>
    %slice3A_67 = vector.extract_strided_slice %mul3A_55 {offsets = [48, 0], sizes = [8, 8192], strides = [1, 1]} : vector<64x8192xf32> to vector<8x8192xf32>
    %add3A_68 = arith.addf %add3A_66, %slice3A_67 : vector<8x8192xf32>
    %slice3A_69 = vector.extract_strided_slice %mul3A_55 {offsets = [56, 0], sizes = [8, 8192], strides = [1, 1]} : vector<64x8192xf32> to vector<8x8192xf32>
    %add3A_70 = arith.addf %add3A_68, %slice3A_69 : vector<8x8192xf32>
    %slice3A_71 = vector.extract_strided_slice %add3A_70 {offsets = [0, 0], sizes = [4, 8192], strides = [1, 1]} : vector<8x8192xf32> to vector<4x8192xf32>
    %slice3A_72 = vector.extract_strided_slice %add3A_70 {offsets = [4, 0], sizes = [4, 8192], strides = [1, 1]} : vector<8x8192xf32> to vector<4x8192xf32>
    %add3A_73 = arith.addf %slice3A_71, %slice3A_72 : vector<4x8192xf32>
    %slice3A_74 = vector.extract_strided_slice %add3A_73 {offsets = [0, 0], sizes = [2, 8192], strides = [1, 1]} : vector<4x8192xf32> to vector<2x8192xf32>
    %slice3A_75 = vector.extract_strided_slice %add3A_73 {offsets = [2, 0], sizes = [2, 8192], strides = [1, 1]} : vector<4x8192xf32> to vector<2x8192xf32>
    %add3A_76 = arith.addf %slice3A_74, %slice3A_75 : vector<2x8192xf32>
    %slice3A_77 = vector.extract_strided_slice %add3A_76 {offsets = [0, 0], sizes = [1, 8192], strides = [1, 1]} : vector<2x8192xf32> to vector<1x8192xf32>
    %slice3A_78 = vector.extract_strided_slice %add3A_76 {offsets = [1, 0], sizes = [1, 8192], strides = [1, 1]} : vector<2x8192xf32> to vector<1x8192xf32>
    %add3A_79 = arith.addf %slice3A_77, %slice3A_78 : vector<1x8192xf32>
    %sub3A = arith.subf %add3A_54, %add3A_79 : vector<1x8192xf32>
    %div3A_80 = arith.constant 8.191000e+03 : f32
    %div3A_81 = vector.broadcast %div3A_80 : f32 to vector<1x8192xf32>
    %div3A_82 = arith.divf %sub3A, %div3A_81 : vector<1x8192xf32>
    %sub3A_83 = arith.constant 1.000000e+00 : f32
    %sub3A_84 = vector.broadcast %sub3A_83 : f32 to vector<1x8192xf32>
    %sub3A_85 = arith.subf %sub3A_84, %div3A_82 : vector<1x8192xf32>
    %mul3A_86 = arith.constant 3.000000e-01 : f32
    %mul3A_87 = vector.broadcast %mul3A_86 : f32 to vector<1x8192xf32>
    %mul3A_88 = arith.mulf %sub3A_85, %mul3A_87 : vector<1x8192xf32>
    %broadcast_in_dim3A_89 = arith.constant 0.000000e+00 : f32
    %broadcast_in_dim3A_90 = vector.broadcast %broadcast_in_dim3A_89 : f32 to vector<6x8192xf32>
    %concatenate3A = tpu.concatenate %max3A_25, %mul3A_88, %broadcast_in_dim3A_90 in 0 : vector<1x8192xf32>, vector<1x8192xf32>, vector<6x8192xf32> -> vector<8x8192xf32>
    %swap3A = arith.constant 0 : index
    %swap3A_91 = arith.constant 0 : index
    %swap3A_92 = vector.load %arg1[%swap3A, %swap3A_91] : memref<8x8192xf32, #tpu.memory_space<vmem>>, vector<8x8192xf32>
    tpu.vector_store %arg1[%swap3A, %swap3A_91], %concatenate3A {strides = array<i32>} : memref<8x8192xf32, #tpu.memory_space<vmem>>, vector<8x8192xf32>,
    return
  }
}

module attributes {stable_mosaic.version = 14 : i64} {
  func.func @_tc_kernel(%arg0: memref<64x8192xf32, #tpu.memory_space<vmem>>, %arg1: memref<1x8192xi32, #tpu.memory_space<vmem>>, %arg2: memref<64x128xf32, #tpu.memory_space<vmem>>, %arg3: memref<8x8192xf32, #tpu.memory_space<vmem>>, %arg4: memref<2048x8xf32, #tpu.memory_space<vmem>>) attributes {dimension_semantics = [], scalar_prefetch = 0 : i64, scratch_operands = 0 : i64, tpu.core_type = #tpu.core_type<tc>} {
    %get3A = arith.constant 0 : index
    %get3A_0 = arith.constant 0 : index
    %get3A_1 = vector.load %arg0[%get3A, %get3A_0] : memref<64x8192xf32, #tpu.memory_space<vmem>>, vector<64x8192xf32>
    %get3A_2 = arith.constant 0 : index
    %get3A_3 = arith.constant 0 : index
    %get3A_4 = vector.load %arg1[%get3A_2, %get3A_3] : memref<1x8192xi32, #tpu.memory_space<vmem>>, vector<1x8192xi32>
    %get3A_5 = arith.constant 0 : index
    %get3A_6 = arith.constant 0 : index
    %get3A_7 = vector.load %arg2[%get3A_5, %get3A_6] : memref<64x128xf32, #tpu.memory_space<vmem>>, vector<64x128xf32>
    %get3A_8 = arith.constant 0 : index
    %get3A_9 = arith.constant 0 : index
    %get3A_10 = vector.load %arg3[%get3A_8, %get3A_9] : memref<8x8192xf32, #tpu.memory_space<vmem>>, vector<1x8192xf32>
    %get3A_11 = arith.constant 1 : index
    %get3A_12 = arith.constant 0 : index
    %get3A_13 = vector.load %arg3[%get3A_11, %get3A_12] : memref<8x8192xf32, #tpu.memory_space<vmem>>, vector<1x8192xf32>
    %iota3A = tpu.iota {dimensions = array<i32: 0>} : vector<128x8192xi32>
    %eq3A = vector.broadcast %get3A_4 : vector<1x8192xi32> to vector<128x8192xi32>
    %eq3A_14 = arith.cmpi eq, %iota3A, %eq3A : vector<128x8192xi32>
    %convert_element_type3A = arith.extui %eq3A_14 : vector<128x8192xi1> to vector<128x8192xi32>
    %convert_element_type3A_15 = arith.sitofp %convert_element_type3A : vector<128x8192xi32> to vector<128x8192xf32>
    %reduce_sum3A = arith.constant dense<0.000000e+00> : vector<128xf32>
    %reduce_sum3A_16 = vector.multi_reduction <add>, %convert_element_type3A_15, %reduce_sum3A [1] : vector<128x8192xf32> to vector<128xf32>
    %broadcast_in_dim3A = vector.shape_cast %reduce_sum3A_16 : vector<128xf32> to vector<128x1xf32>
    %transpose3A = tpu.transpose %broadcast_in_dim3A, [1, 0] : vector<128x1xf32> -> vector<1x128xf32>
    %max3A = arith.constant 1.000000e+00 : f32
    %max3A_17 = vector.broadcast %max3A : f32 to vector<1x128xf32>
    %max3A_18 = arith.maximumf %transpose3A, %max3A_17 : vector<1x128xf32>
    %div3A = vector.broadcast %max3A_18 : vector<1x128xf32> to vector<64x128xf32>
    %div3A_19 = arith.divf %get3A_7, %div3A : vector<64x128xf32>
    %dot_general3A = arith.constant dense<0.000000e+00> : vector<64x8192xf32>
    %dot_general3A_20 = tpu.matmul %div3A_19, %convert_element_type3A_15, %dot_general3A {dimension_numbers = #tpu.dot_dimension_numbers<[1], [0], [0], [1], [0, 0, 1, 1], [], []>, precision = #tpu.contract_precision<fp32>, transpose_lhs_hint = false} : vector<64x128xf32>, vector<128x8192xf32>, vector<64x8192xf32> -> vector<64x8192xf32>
    %mul3A = arith.mulf %dot_general3A_20, %dot_general3A_20 : vector<64x8192xf32>
    %slice3A = vector.extract_strided_slice %mul3A {offsets = [0, 0], sizes = [8, 8192], strides = [1, 1]} : vector<64x8192xf32> to vector<8x8192xf32>
    %slice3A_21 = vector.extract_strided_slice %mul3A {offsets = [8, 0], sizes = [8, 8192], strides = [1, 1]} : vector<64x8192xf32> to vector<8x8192xf32>
    %add3A = arith.addf %slice3A, %slice3A_21 : vector<8x8192xf32>
    %slice3A_22 = vector.extract_strided_slice %mul3A {offsets = [16, 0], sizes = [8, 8192], strides = [1, 1]} : vector<64x8192xf32> to vector<8x8192xf32>
    %add3A_23 = arith.addf %add3A, %slice3A_22 : vector<8x8192xf32>
    %slice3A_24 = vector.extract_strided_slice %mul3A {offsets = [24, 0], sizes = [8, 8192], strides = [1, 1]} : vector<64x8192xf32> to vector<8x8192xf32>
    %add3A_25 = arith.addf %add3A_23, %slice3A_24 : vector<8x8192xf32>
    %slice3A_26 = vector.extract_strided_slice %mul3A {offsets = [32, 0], sizes = [8, 8192], strides = [1, 1]} : vector<64x8192xf32> to vector<8x8192xf32>
    %add3A_27 = arith.addf %add3A_25, %slice3A_26 : vector<8x8192xf32>
    %slice3A_28 = vector.extract_strided_slice %mul3A {offsets = [40, 0], sizes = [8, 8192], strides = [1, 1]} : vector<64x8192xf32> to vector<8x8192xf32>
    %add3A_29 = arith.addf %add3A_27, %slice3A_28 : vector<8x8192xf32>
    %slice3A_30 = vector.extract_strided_slice %mul3A {offsets = [48, 0], sizes = [8, 8192], strides = [1, 1]} : vector<64x8192xf32> to vector<8x8192xf32>
    %add3A_31 = arith.addf %add3A_29, %slice3A_30 : vector<8x8192xf32>
    %slice3A_32 = vector.extract_strided_slice %mul3A {offsets = [56, 0], sizes = [8, 8192], strides = [1, 1]} : vector<64x8192xf32> to vector<8x8192xf32>
    %add3A_33 = arith.addf %add3A_31, %slice3A_32 : vector<8x8192xf32>
    %slice3A_34 = vector.extract_strided_slice %add3A_33 {offsets = [0, 0], sizes = [4, 8192], strides = [1, 1]} : vector<8x8192xf32> to vector<4x8192xf32>
    %slice3A_35 = vector.extract_strided_slice %add3A_33 {offsets = [4, 0], sizes = [4, 8192], strides = [1, 1]} : vector<8x8192xf32> to vector<4x8192xf32>
    %add3A_36 = arith.addf %slice3A_34, %slice3A_35 : vector<4x8192xf32>
    %slice3A_37 = vector.extract_strided_slice %add3A_36 {offsets = [0, 0], sizes = [2, 8192], strides = [1, 1]} : vector<4x8192xf32> to vector<2x8192xf32>
    %slice3A_38 = vector.extract_strided_slice %add3A_36 {offsets = [2, 0], sizes = [2, 8192], strides = [1, 1]} : vector<4x8192xf32> to vector<2x8192xf32>
    %add3A_39 = arith.addf %slice3A_37, %slice3A_38 : vector<2x8192xf32>
    %slice3A_40 = vector.extract_strided_slice %add3A_39 {offsets = [0, 0], sizes = [1, 8192], strides = [1, 1]} : vector<2x8192xf32> to vector<1x8192xf32>
    %slice3A_41 = vector.extract_strided_slice %add3A_39 {offsets = [1, 0], sizes = [1, 8192], strides = [1, 1]} : vector<2x8192xf32> to vector<1x8192xf32>
    %add3A_42 = arith.addf %slice3A_40, %slice3A_41 : vector<1x8192xf32>
    %mul3A_43 = arith.mulf %get3A_1, %dot_general3A_20 : vector<64x8192xf32>
    %slice3A_44 = vector.extract_strided_slice %mul3A_43 {offsets = [0, 0], sizes = [8, 8192], strides = [1, 1]} : vector<64x8192xf32> to vector<8x8192xf32>
    %slice3A_45 = vector.extract_strided_slice %mul3A_43 {offsets = [8, 0], sizes = [8, 8192], strides = [1, 1]} : vector<64x8192xf32> to vector<8x8192xf32>
    %add3A_46 = arith.addf %slice3A_44, %slice3A_45 : vector<8x8192xf32>
    %slice3A_47 = vector.extract_strided_slice %mul3A_43 {offsets = [16, 0], sizes = [8, 8192], strides = [1, 1]} : vector<64x8192xf32> to vector<8x8192xf32>
    %add3A_48 = arith.addf %add3A_46, %slice3A_47 : vector<8x8192xf32>
    %slice3A_49 = vector.extract_strided_slice %mul3A_43 {offsets = [24, 0], sizes = [8, 8192], strides = [1, 1]} : vector<64x8192xf32> to vector<8x8192xf32>
    %add3A_50 = arith.addf %add3A_48, %slice3A_49 : vector<8x8192xf32>
    %slice3A_51 = vector.extract_strided_slice %mul3A_43 {offsets = [32, 0], sizes = [8, 8192], strides = [1, 1]} : vector<64x8192xf32> to vector<8x8192xf32>
    %add3A_52 = arith.addf %add3A_50, %slice3A_51 : vector<8x8192xf32>
    %slice3A_53 = vector.extract_strided_slice %mul3A_43 {offsets = [40, 0], sizes = [8, 8192], strides = [1, 1]} : vector<64x8192xf32> to vector<8x8192xf32>
    %add3A_54 = arith.addf %add3A_52, %slice3A_53 : vector<8x8192xf32>
    %slice3A_55 = vector.extract_strided_slice %mul3A_43 {offsets = [48, 0], sizes = [8, 8192], strides = [1, 1]} : vector<64x8192xf32> to vector<8x8192xf32>
    %add3A_56 = arith.addf %add3A_54, %slice3A_55 : vector<8x8192xf32>
    %slice3A_57 = vector.extract_strided_slice %mul3A_43 {offsets = [56, 0], sizes = [8, 8192], strides = [1, 1]} : vector<64x8192xf32> to vector<8x8192xf32>
    %add3A_58 = arith.addf %add3A_56, %slice3A_57 : vector<8x8192xf32>
    %slice3A_59 = vector.extract_strided_slice %add3A_58 {offsets = [0, 0], sizes = [4, 8192], strides = [1, 1]} : vector<8x8192xf32> to vector<4x8192xf32>
    %slice3A_60 = vector.extract_strided_slice %add3A_58 {offsets = [4, 0], sizes = [4, 8192], strides = [1, 1]} : vector<8x8192xf32> to vector<4x8192xf32>
    %add3A_61 = arith.addf %slice3A_59, %slice3A_60 : vector<4x8192xf32>
    %slice3A_62 = vector.extract_strided_slice %add3A_61 {offsets = [0, 0], sizes = [2, 8192], strides = [1, 1]} : vector<4x8192xf32> to vector<2x8192xf32>
    %slice3A_63 = vector.extract_strided_slice %add3A_61 {offsets = [2, 0], sizes = [2, 8192], strides = [1, 1]} : vector<4x8192xf32> to vector<2x8192xf32>
    %add3A_64 = arith.addf %slice3A_62, %slice3A_63 : vector<2x8192xf32>
    %slice3A_65 = vector.extract_strided_slice %add3A_64 {offsets = [0, 0], sizes = [1, 8192], strides = [1, 1]} : vector<2x8192xf32> to vector<1x8192xf32>
    %slice3A_66 = vector.extract_strided_slice %add3A_64 {offsets = [1, 0], sizes = [1, 8192], strides = [1, 1]} : vector<2x8192xf32> to vector<1x8192xf32>
    %add3A_67 = arith.addf %slice3A_65, %slice3A_66 : vector<1x8192xf32>
    %sqrt3A = math.sqrt %add3A_42 : vector<1x8192xf32>
    %max3A_68 = arith.constant 9.99999993E-9 : f32
    %max3A_69 = vector.broadcast %max3A_68 : f32 to vector<1x8192xf32>
    %max3A_70 = arith.maximumf %sqrt3A, %max3A_69 : vector<1x8192xf32>
    %mul3A_71 = arith.mulf %get3A_10, %max3A_70 : vector<1x8192xf32>
    %div3A_72 = arith.divf %add3A_67, %mul3A_71 : vector<1x8192xf32>
    %mul3A_73 = arith.constant 0.699999988 : f32
    %mul3A_74 = vector.broadcast %mul3A_73 : f32 to vector<1x8192xf32>
    %mul3A_75 = arith.mulf %div3A_72, %mul3A_74 : vector<1x8192xf32>
    %add3A_76 = arith.addf %mul3A_75, %get3A_13 : vector<1x8192xf32>
    %bitcast_convert_type3A = tpu.bitcast %add3A_76 : vector<1x8192xf32> -> vector<1x8192xi32>
    %ge3A = arith.constant 0 : i32
    %ge3A_77 = vector.broadcast %ge3A : i32 to vector<1x8192xi32>
    %ge3A_78 = arith.cmpi sge, %bitcast_convert_type3A, %ge3A_77 : vector<1x8192xi32>
    %xor3A = arith.constant -2147483648 : i32
    %xor3A_79 = vector.broadcast %xor3A : i32 to vector<1x8192xi32>
    %xor3A_80 = arith.xori %bitcast_convert_type3A, %xor3A_79 : vector<1x8192xi32>
    %sub3A = arith.constant -1 : i32
    %sub3A_81 = vector.broadcast %sub3A : i32 to vector<1x8192xi32>
    %sub3A_82 = arith.subi %sub3A_81, %xor3A_80 : vector<1x8192xi32>
    %select_n3A = arith.select %ge3A_78, %bitcast_convert_type3A, %sub3A_82 : vector<1x8192xi1>, vector<1x8192xi32>
    %iota3A_83 = tpu.iota {dimensions = array<i32: 1>} : vector<1x8192xi32>
    %scan3A = arith.constant -2147483648 : i32
    %scan3A_84 = arith.constant 0 : i32
    %scan3A_85 = arith.constant 32 : i32
    %scan3A_86 = arith.addi %scan3A_84, %scan3A_85 : i32
    %scan3A_87 = arith.constant 1 : i32
    %scan3A_88 = scf.for %scan3A_288 = %scan3A_84 to %scan3A_86 step %scan3A_87 iter_args(%scan3A_289 = %scan3A) -> (i32)  : i32 {
      %eq3A_290 = arith.constant 0 : i32
      %eq3A_291 = arith.cmpi eq, %scan3A_288, %eq3A_290 : i32
      %sub3A_292 = arith.constant 31 : i32
      %sub3A_293 = arith.subi %sub3A_292, %scan3A_288 : i32
      %shift_left3A = arith.constant 1 : i32
      %shift_left3A_294 = arith.shli %shift_left3A, %sub3A_293 : i32
      %add3A_295 = arith.addi %scan3A_289, %shift_left3A_294 : i32
      %jit3A_296 = arith.constant 0 : i32
      %select_n3A_297 = arith.select %eq3A_291, %jit3A_296, %add3A_295 : i32
      %ge3A_298 = vector.broadcast %select_n3A_297 : i32 to vector<1x8192xi32>
      %ge3A_299 = arith.cmpi sge, %select_n3A, %ge3A_298 : vector<1x8192xi32>
      %convert_element_type3A_300 = arith.extui %ge3A_299 : vector<1x8192xi1> to vector<1x8192xi32>
      %reduce_sum3A_301 = vector.shape_cast %convert_element_type3A_300 : vector<1x8192xi32> to vector<1x1x8192xi32>
      %reduce_sum3A_302 = arith.constant dense<0> : vector<1xi32>
      %reduce_sum3A_303 = vector.multi_reduction <add>, %reduce_sum3A_301, %reduce_sum3A_302 [1, 2] : vector<1x1x8192xi32> to vector<1xi32>
      %reduce_sum3A_304 = vector.shape_cast %reduce_sum3A_303 : vector<1xi32> to vector<1x1x1xi32>
      %reduce_sum3A_305 = vector.extract %reduce_sum3A_304[0, 0, 0] : i32 from vector<1x1x1xi32>
      %ge3A_306 = arith.constant 2048 : i32
      %ge3A_307 = arith.cmpi sge, %reduce_sum3A_305, %ge3A_306 : i32
      %select_n3A_308 = arith.select %ge3A_307, %select_n3A_297, %scan3A_289 : i32
      scf.yield %select_n3A_308 : i32
    }
    %scan3A_89 = arith.constant 32 : i32
    %gt3A = vector.broadcast %scan3A_88 : i32 to vector<1x8192xi32>
    %gt3A_90 = arith.cmpi sgt, %select_n3A, %gt3A : vector<1x8192xi32>
    %convert_element_type3A_91 = arith.extui %gt3A_90 : vector<1x8192xi1> to vector<1x8192xi32>
    %reduce_sum3A_92 = vector.shape_cast %convert_element_type3A_91 : vector<1x8192xi32> to vector<1x1x8192xi32>
    %reduce_sum3A_93 = arith.constant dense<0> : vector<1xi32>
    %reduce_sum3A_94 = vector.multi_reduction <add>, %reduce_sum3A_92, %reduce_sum3A_93 [1, 2] : vector<1x1x8192xi32> to vector<1xi32>
    %reduce_sum3A_95 = vector.shape_cast %reduce_sum3A_94 : vector<1xi32> to vector<1x1x1xi32>
    %reduce_sum3A_96 = vector.extract %reduce_sum3A_95[0, 0, 0] : i32 from vector<1x1x1xi32>
    %sub3A_97 = arith.constant 2048 : i32
    %sub3A_98 = arith.subi %sub3A_97, %reduce_sum3A_96 : i32
    %eq3A_99 = vector.broadcast %scan3A_88 : i32 to vector<1x8192xi32>
    %eq3A_100 = arith.cmpi eq, %select_n3A, %eq3A_99 : vector<1x8192xi32>
    %scan3A_101 = arith.constant -1 : i32
    %scan3A_102 = arith.constant 0 : i32
    %scan3A_103 = arith.constant 13 : i32
    %scan3A_104 = arith.addi %scan3A_102, %scan3A_103 : i32
    %scan3A_105 = arith.constant 1 : i32
    %scan3A_106 = scf.for %scan3A_288 = %scan3A_102 to %scan3A_104 step %scan3A_105 iter_args(%scan3A_289 = %scan3A_101) -> (i32)  : i32 {
      %sub3A_290 = arith.constant 12 : i32
      %sub3A_291 = arith.subi %sub3A_290, %scan3A_288 : i32
      %shift_left3A = arith.constant 1 : i32
      %shift_left3A_292 = arith.shli %shift_left3A, %sub3A_291 : i32
      %add3A_293 = arith.addi %scan3A_289, %shift_left3A_292 : i32
      %le3A_294 = vector.broadcast %add3A_293 : i32 to vector<1x8192xi32>
      %le3A_295 = arith.cmpi sle, %iota3A_83, %le3A_294 : vector<1x8192xi32>
      %and3A_296 = arith.andi %eq3A_100, %le3A_295 : vector<1x8192xi1>
      %convert_element_type3A_297 = arith.extui %and3A_296 : vector<1x8192xi1> to vector<1x8192xi32>
      %reduce_sum3A_298 = vector.shape_cast %convert_element_type3A_297 : vector<1x8192xi32> to vector<1x1x8192xi32>
      %reduce_sum3A_299 = arith.constant dense<0> : vector<1xi32>
      %reduce_sum3A_300 = vector.multi_reduction <add>, %reduce_sum3A_298, %reduce_sum3A_299 [1, 2] : vector<1x1x8192xi32> to vector<1xi32>
      %reduce_sum3A_301 = vector.shape_cast %reduce_sum3A_300 : vector<1xi32> to vector<1x1x1xi32>
      %reduce_sum3A_302 = vector.extract %reduce_sum3A_301[0, 0, 0] : i32 from vector<1x1x1xi32>
      %lt3A_303 = arith.cmpi slt, %reduce_sum3A_302, %sub3A_98 : i32
      %select_n3A_304 = arith.select %lt3A_303, %add3A_293, %scan3A_289 : i32
      scf.yield %select_n3A_304 : i32
    }
    %scan3A_107 = arith.constant 13 : i32
    %gt3A_108 = vector.broadcast %scan3A_88 : i32 to vector<1x8192xi32>
    %gt3A_109 = arith.cmpi sgt, %select_n3A, %gt3A_108 : vector<1x8192xi32>
    %add3A_110 = arith.constant 1 : i32
    %add3A_111 = arith.addi %scan3A_106, %add3A_110 : i32
    %le3A = vector.broadcast %add3A_111 : i32 to vector<1x8192xi32>
    %le3A_112 = arith.cmpi sle, %iota3A_83, %le3A : vector<1x8192xi32>
    %and3A = arith.andi %eq3A_100, %le3A_112 : vector<1x8192xi1>
    %or3A = arith.ori %gt3A_109, %and3A : vector<1x8192xi1>
    %convert_element_type3A_113 = arith.extui %or3A : vector<1x8192xi1> to vector<1x8192xi32>
    %convert_element_type3A_114 = arith.sitofp %convert_element_type3A_113 : vector<1x8192xi32> to vector<1x8192xf32>
    %broadcast_in_dim3A_115 = arith.constant 0.000000e+00 : f32
    %broadcast_in_dim3A_116 = vector.broadcast %broadcast_in_dim3A_115 : f32 to vector<1x1xf32>
    %slice3A_117 = vector.extract_strided_slice %convert_element_type3A_114 {offsets = [0, 0], sizes = [1, 8191], strides = [1, 1]} : vector<1x8192xf32> to vector<1x8191xf32>
    %concatenate3A = tpu.concatenate %broadcast_in_dim3A_116, %slice3A_117 in 1 : vector<1x1xf32>, vector<1x8191xf32> -> vector<1x8192xf32>
    %add3A_118 = arith.addf %convert_element_type3A_114, %concatenate3A : vector<1x8192xf32>
    %broadcast_in_dim3A_119 = arith.constant 0.000000e+00 : f32
    %broadcast_in_dim3A_120 = vector.broadcast %broadcast_in_dim3A_119 : f32 to vector<1x2xf32>
    %slice3A_121 = vector.extract_strided_slice %add3A_118 {offsets = [0, 0], sizes = [1, 8190], strides = [1, 1]} : vector<1x8192xf32> to vector<1x8190xf32>
    %concatenate3A_122 = tpu.concatenate %broadcast_in_dim3A_120, %slice3A_121 in 1 : vector<1x2xf32>, vector<1x8190xf32> -> vector<1x8192xf32>
    %add3A_123 = arith.addf %add3A_118, %concatenate3A_122 : vector<1x8192xf32>
    %broadcast_in_dim3A_124 = arith.constant 0.000000e+00 : f32
    %broadcast_in_dim3A_125 = vector.broadcast %broadcast_in_dim3A_124 : f32 to vector<1x4xf32>
    %slice3A_126 = vector.extract_strided_slice %add3A_123 {offsets = [0, 0], sizes = [1, 8188], strides = [1, 1]} : vector<1x8192xf32> to vector<1x8188xf32>
    %concatenate3A_127 = tpu.concatenate %broadcast_in_dim3A_125, %slice3A_126 in 1 : vector<1x4xf32>, vector<1x8188xf32> -> vector<1x8192xf32>
    %add3A_128 = arith.addf %add3A_123, %concatenate3A_127 : vector<1x8192xf32>
    %broadcast_in_dim3A_129 = arith.constant 0.000000e+00 : f32
    %broadcast_in_dim3A_130 = vector.broadcast %broadcast_in_dim3A_129 : f32 to vector<1x8xf32>
    %slice3A_131 = vector.extract_strided_slice %add3A_128 {offsets = [0, 0], sizes = [1, 8184], strides = [1, 1]} : vector<1x8192xf32> to vector<1x8184xf32>
    %concatenate3A_132 = tpu.concatenate %broadcast_in_dim3A_130, %slice3A_131 in 1 : vector<1x8xf32>, vector<1x8184xf32> -> vector<1x8192xf32>
    %add3A_133 = arith.addf %add3A_128, %concatenate3A_132 : vector<1x8192xf32>
    %broadcast_in_dim3A_134 = arith.constant 0.000000e+00 : f32
    %broadcast_in_dim3A_135 = vector.broadcast %broadcast_in_dim3A_134 : f32 to vector<1x16xf32>
    %slice3A_136 = vector.extract_strided_slice %add3A_133 {offsets = [0, 0], sizes = [1, 8176], strides = [1, 1]} : vector<1x8192xf32> to vector<1x8176xf32>
    %concatenate3A_137 = tpu.concatenate %broadcast_in_dim3A_135, %slice3A_136 in 1 : vector<1x16xf32>, vector<1x8176xf32> -> vector<1x8192xf32>
    %add3A_138 = arith.addf %add3A_133, %concatenate3A_137 : vector<1x8192xf32>
    %broadcast_in_dim3A_139 = arith.constant 0.000000e+00 : f32
    %broadcast_in_dim3A_140 = vector.broadcast %broadcast_in_dim3A_139 : f32 to vector<1x32xf32>
    %slice3A_141 = vector.extract_strided_slice %add3A_138 {offsets = [0, 0], sizes = [1, 8160], strides = [1, 1]} : vector<1x8192xf32> to vector<1x8160xf32>
    %concatenate3A_142 = tpu.concatenate %broadcast_in_dim3A_140, %slice3A_141 in 1 : vector<1x32xf32>, vector<1x8160xf32> -> vector<1x8192xf32>
    %add3A_143 = arith.addf %add3A_138, %concatenate3A_142 : vector<1x8192xf32>
    %broadcast_in_dim3A_144 = arith.constant 0.000000e+00 : f32
    %broadcast_in_dim3A_145 = vector.broadcast %broadcast_in_dim3A_144 : f32 to vector<1x64xf32>
    %slice3A_146 = vector.extract_strided_slice %add3A_143 {offsets = [0, 0], sizes = [1, 8128], strides = [1, 1]} : vector<1x8192xf32> to vector<1x8128xf32>
    %concatenate3A_147 = tpu.concatenate %broadcast_in_dim3A_145, %slice3A_146 in 1 : vector<1x64xf32>, vector<1x8128xf32> -> vector<1x8192xf32>
    %add3A_148 = arith.addf %add3A_143, %concatenate3A_147 : vector<1x8192xf32>
    %broadcast_in_dim3A_149 = arith.constant 0.000000e+00 : f32
    %broadcast_in_dim3A_150 = vector.broadcast %broadcast_in_dim3A_149 : f32 to vector<1x128xf32>
    %slice3A_151 = vector.extract_strided_slice %add3A_148 {offsets = [0, 0], sizes = [1, 8064], strides = [1, 1]} : vector<1x8192xf32> to vector<1x8064xf32>
    %concatenate3A_152 = tpu.concatenate %broadcast_in_dim3A_150, %slice3A_151 in 1 : vector<1x128xf32>, vector<1x8064xf32> -> vector<1x8192xf32>
    %add3A_153 = arith.addf %add3A_148, %concatenate3A_152 : vector<1x8192xf32>
    %broadcast_in_dim3A_154 = arith.constant 0.000000e+00 : f32
    %broadcast_in_dim3A_155 = vector.broadcast %broadcast_in_dim3A_154 : f32 to vector<1x256xf32>
    %slice3A_156 = vector.extract_strided_slice %add3A_153 {offsets = [0, 0], sizes = [1, 7936], strides = [1, 1]} : vector<1x8192xf32> to vector<1x7936xf32>
    %concatenate3A_157 = tpu.concatenate %broadcast_in_dim3A_155, %slice3A_156 in 1 : vector<1x256xf32>, vector<1x7936xf32> -> vector<1x8192xf32>
    %add3A_158 = arith.addf %add3A_153, %concatenate3A_157 : vector<1x8192xf32>
    %broadcast_in_dim3A_159 = arith.constant 0.000000e+00 : f32
    %broadcast_in_dim3A_160 = vector.broadcast %broadcast_in_dim3A_159 : f32 to vector<1x512xf32>
    %slice3A_161 = vector.extract_strided_slice %add3A_158 {offsets = [0, 0], sizes = [1, 7680], strides = [1, 1]} : vector<1x8192xf32> to vector<1x7680xf32>
    %concatenate3A_162 = tpu.concatenate %broadcast_in_dim3A_160, %slice3A_161 in 1 : vector<1x512xf32>, vector<1x7680xf32> -> vector<1x8192xf32>
    %add3A_163 = arith.addf %add3A_158, %concatenate3A_162 : vector<1x8192xf32>
    %broadcast_in_dim3A_164 = arith.constant 0.000000e+00 : f32
    %broadcast_in_dim3A_165 = vector.broadcast %broadcast_in_dim3A_164 : f32 to vector<1x1024xf32>
    %slice3A_166 = vector.extract_strided_slice %add3A_163 {offsets = [0, 0], sizes = [1, 7168], strides = [1, 1]} : vector<1x8192xf32> to vector<1x7168xf32>
    %concatenate3A_167 = tpu.concatenate %broadcast_in_dim3A_165, %slice3A_166 in 1 : vector<1x1024xf32>, vector<1x7168xf32> -> vector<1x8192xf32>
    %add3A_168 = arith.addf %add3A_163, %concatenate3A_167 : vector<1x8192xf32>
    %broadcast_in_dim3A_169 = arith.constant 0.000000e+00 : f32
    %broadcast_in_dim3A_170 = vector.broadcast %broadcast_in_dim3A_169 : f32 to vector<1x2048xf32>
    %slice3A_171 = vector.extract_strided_slice %add3A_168 {offsets = [0, 0], sizes = [1, 6144], strides = [1, 1]} : vector<1x8192xf32> to vector<1x6144xf32>
    %concatenate3A_172 = tpu.concatenate %broadcast_in_dim3A_170, %slice3A_171 in 1 : vector<1x2048xf32>, vector<1x6144xf32> -> vector<1x8192xf32>
    %add3A_173 = arith.addf %add3A_168, %concatenate3A_172 : vector<1x8192xf32>
    %broadcast_in_dim3A_174 = arith.constant 0.000000e+00 : f32
    %broadcast_in_dim3A_175 = vector.broadcast %broadcast_in_dim3A_174 : f32 to vector<1x4096xf32>
    %slice3A_176 = vector.extract_strided_slice %add3A_173 {offsets = [0, 0], sizes = [1, 4096], strides = [1, 1]} : vector<1x8192xf32> to vector<1x4096xf32>
    %concatenate3A_177 = tpu.concatenate %broadcast_in_dim3A_175, %slice3A_176 in 1 : vector<1x4096xf32>, vector<1x4096xf32> -> vector<1x8192xf32>
    %add3A_178 = arith.addf %add3A_173, %concatenate3A_177 : vector<1x8192xf32>
    %sub3A_179 = arith.subf %add3A_178, %convert_element_type3A_114 : vector<1x8192xf32>
    %shift_right_arithmetic3A = arith.constant 24 : i32
    %shift_right_arithmetic3A_180 = vector.broadcast %shift_right_arithmetic3A : i32 to vector<1x8192xi32>
    %shift_right_arithmetic3A_181 = arith.shrsi %select_n3A, %shift_right_arithmetic3A_180 : vector<1x8192xi32>
    %add3A_182 = arith.constant 128 : i32
    %add3A_183 = vector.broadcast %add3A_182 : i32 to vector<1x8192xi32>
    %add3A_184 = arith.addi %shift_right_arithmetic3A_181, %add3A_183 : vector<1x8192xi32>
    %convert_element_type3A_185 = arith.sitofp %add3A_184 : vector<1x8192xi32> to vector<1x8192xf32>
    %and3A_186 = arith.constant 16777215 : i32
    %and3A_187 = vector.broadcast %and3A_186 : i32 to vector<1x8192xi32>
    %and3A_188 = arith.andi %select_n3A, %and3A_187 : vector<1x8192xi32>
    %shift_right_arithmetic3A_189 = arith.constant 16 : i32
    %shift_right_arithmetic3A_190 = vector.broadcast %shift_right_arithmetic3A_189 : i32 to vector<1x8192xi32>
    %shift_right_arithmetic3A_191 = arith.shrsi %and3A_188, %shift_right_arithmetic3A_190 : vector<1x8192xi32>
    %convert_element_type3A_192 = arith.sitofp %shift_right_arithmetic3A_191 : vector<1x8192xi32> to vector<1x8192xf32>
    %shift_right_arithmetic3A_193 = arith.constant 8 : i32
    %shift_right_arithmetic3A_194 = vector.broadcast %shift_right_arithmetic3A_193 : i32 to vector<1x8192xi32>
    %shift_right_arithmetic3A_195 = arith.shrsi %and3A_188, %shift_right_arithmetic3A_194 : vector<1x8192xi32>
    %and3A_196 = arith.constant 255 : i32
    %and3A_197 = vector.broadcast %and3A_196 : i32 to vector<1x8192xi32>
    %and3A_198 = arith.andi %shift_right_arithmetic3A_195, %and3A_197 : vector<1x8192xi32>
    %convert_element_type3A_199 = arith.sitofp %and3A_198 : vector<1x8192xi32> to vector<1x8192xf32>
    %and3A_200 = arith.constant 255 : i32
    %and3A_201 = vector.broadcast %and3A_200 : i32 to vector<1x8192xi32>
    %and3A_202 = arith.andi %and3A_188, %and3A_201 : vector<1x8192xi32>
    %convert_element_type3A_203 = arith.sitofp %and3A_202 : vector<1x8192xi32> to vector<1x8192xf32>
    %shift_right_arithmetic3A_204 = arith.constant 8 : i32
    %shift_right_arithmetic3A_205 = vector.broadcast %shift_right_arithmetic3A_204 : i32 to vector<1x8192xi32>
    %shift_right_arithmetic3A_206 = arith.shrsi %iota3A_83, %shift_right_arithmetic3A_205 : vector<1x8192xi32>
    %convert_element_type3A_207 = arith.sitofp %shift_right_arithmetic3A_206 : vector<1x8192xi32> to vector<1x8192xf32>
    %and3A_208 = arith.constant 255 : i32
    %and3A_209 = vector.broadcast %and3A_208 : i32 to vector<1x8192xi32>
    %and3A_210 = arith.andi %iota3A_83, %and3A_209 : vector<1x8192xi32>
    %convert_element_type3A_211 = arith.sitofp %and3A_210 : vector<1x8192xi32> to vector<1x8192xf32>
    %broadcast_in_dim3A_212 = arith.constant 0.000000e+00 : f32
    %broadcast_in_dim3A_213 = vector.broadcast %broadcast_in_dim3A_212 : f32 to vector<2x8192xf32>
    %concatenate3A_214 = tpu.concatenate %convert_element_type3A_185, %convert_element_type3A_192, %convert_element_type3A_199, %convert_element_type3A_203, %convert_element_type3A_207, %convert_element_type3A_211, %broadcast_in_dim3A_213 in 0 : vector<1x8192xf32>, vector<1x8192xf32>, vector<1x8192xf32>, vector<1x8192xf32>, vector<1x8192xf32>, vector<1x8192xf32>, vector<2x8192xf32> -> vector<8x8192xf32>
    %iota3A_215 = tpu.iota {dimensions = array<i32: 0>} : vector<2048x8192xi32>
    %convert_element_type3A_216 = arith.fptosi %sub3A_179 : vector<1x8192xf32> to vector<1x8192xi32>
    %eq3A_217 = vector.broadcast %convert_element_type3A_216 : vector<1x8192xi32> to vector<2048x8192xi32>
    %eq3A_218 = arith.cmpi eq, %eq3A_217, %iota3A_215 : vector<2048x8192xi32>
    %and3A_219 = vector.broadcast %or3A : vector<1x8192xi1> to vector<2048x8192xi1>
    %and3A_220 = arith.andi %eq3A_218, %and3A_219 : vector<2048x8192xi1>
    %jit3A = arith.constant 1.000000e+00 : f32
    %jit3A_221 = arith.constant 0.000000e+00 : f32
    %broadcast_in_dim3A_222 = vector.broadcast %jit3A : f32 to vector<2048x8192xf32>
    %broadcast_in_dim3A_223 = vector.broadcast %jit3A_221 : f32 to vector<2048x8192xf32>
    %select_n3A_224 = arith.select %and3A_220, %broadcast_in_dim3A_222, %broadcast_in_dim3A_223 : vector<2048x8192xi1>, vector<2048x8192xf32>
    %dot_general3A_225 = arith.constant dense<0.000000e+00> : vector<2048x8xf32>
    %dot_general3A_226 = tpu.matmul %select_n3A_224, %concatenate3A_214, %dot_general3A_225 {dimension_numbers = #tpu.dot_dimension_numbers<[1], [1], [0], [0], [0, 0, 1, 0], [], []>, transpose_lhs_hint = false} : vector<2048x8192xf32>, vector<8x8192xf32>, vector<2048x8xf32> -> vector<2048x8xf32>
    %slice3A_227 = vector.extract_strided_slice %dot_general3A_226 {offsets = [0, 0], sizes = [2048, 1], strides = [1, 1]} : vector<2048x8xf32> to vector<2048x1xf32>
    %slice3A_228 = vector.extract_strided_slice %dot_general3A_226 {offsets = [0, 1], sizes = [2048, 1], strides = [1, 1]} : vector<2048x8xf32> to vector<2048x1xf32>
    %slice3A_229 = vector.extract_strided_slice %dot_general3A_226 {offsets = [0, 2], sizes = [2048, 1], strides = [1, 1]} : vector<2048x8xf32> to vector<2048x1xf32>
    %slice3A_230 = vector.extract_strided_slice %dot_general3A_226 {offsets = [0, 3], sizes = [2048, 1], strides = [1, 1]} : vector<2048x8xf32> to vector<2048x1xf32>
    %slice3A_231 = vector.extract_strided_slice %dot_general3A_226 {offsets = [0, 4], sizes = [2048, 1], strides = [1, 1]} : vector<2048x8xf32> to vector<2048x1xf32>
    %slice3A_232 = vector.extract_strided_slice %dot_general3A_226 {offsets = [0, 5], sizes = [2048, 1], strides = [1, 1]} : vector<2048x8xf32> to vector<2048x1xf32>
    %mul3A_233 = arith.constant 2.560000e+02 : f32
    %mul3A_234 = vector.broadcast %mul3A_233 : f32 to vector<2048x1xf32>
    %mul3A_235 = arith.mulf %slice3A_227, %mul3A_234 : vector<2048x1xf32>
    %add3A_236 = arith.addf %mul3A_235, %slice3A_228 : vector<2048x1xf32>
    %mul3A_237 = arith.constant 2.560000e+02 : f32
    %mul3A_238 = vector.broadcast %mul3A_237 : f32 to vector<2048x1xf32>
    %mul3A_239 = arith.mulf %slice3A_229, %mul3A_238 : vector<2048x1xf32>
    %add3A_240 = arith.addf %mul3A_239, %slice3A_230 : vector<2048x1xf32>
    %mul3A_241 = arith.constant 2.560000e+02 : f32
    %mul3A_242 = vector.broadcast %mul3A_241 : f32 to vector<2048x1xf32>
    %mul3A_243 = arith.mulf %slice3A_231, %mul3A_242 : vector<2048x1xf32>
    %add3A_244 = arith.addf %mul3A_243, %slice3A_232 : vector<2048x1xf32>
    %transpose3A_245 = tpu.transpose %add3A_236, [1, 0] : vector<2048x1xf32> -> vector<1x2048xf32>
    %transpose3A_246 = tpu.transpose %add3A_240, [1, 0] : vector<2048x1xf32> -> vector<1x2048xf32>
    %transpose3A_247 = tpu.transpose %add3A_244, [1, 0] : vector<2048x1xf32> -> vector<1x2048xf32>
    %gt3A_248 = vector.broadcast %transpose3A_245 : vector<1x2048xf32> to vector<2048x2048xf32>
    %gt3A_249 = vector.broadcast %add3A_236 : vector<2048x1xf32> to vector<2048x2048xf32>
    %gt3A_250 = arith.cmpf ogt, %gt3A_248, %gt3A_249 : vector<2048x2048xf32>
    %eq3A_251 = vector.broadcast %transpose3A_245 : vector<1x2048xf32> to vector<2048x2048xf32>
    %eq3A_252 = vector.broadcast %add3A_236 : vector<2048x1xf32> to vector<2048x2048xf32>
    %eq3A_253 = arith.cmpf oeq, %eq3A_251, %eq3A_252 : vector<2048x2048xf32>
    %gt3A_254 = vector.broadcast %transpose3A_246 : vector<1x2048xf32> to vector<2048x2048xf32>
    %gt3A_255 = vector.broadcast %add3A_240 : vector<2048x1xf32> to vector<2048x2048xf32>
    %gt3A_256 = arith.cmpf ogt, %gt3A_254, %gt3A_255 : vector<2048x2048xf32>
    %eq3A_257 = vector.broadcast %transpose3A_246 : vector<1x2048xf32> to vector<2048x2048xf32>
    %eq3A_258 = vector.broadcast %add3A_240 : vector<2048x1xf32> to vector<2048x2048xf32>
    %eq3A_259 = arith.cmpf oeq, %eq3A_257, %eq3A_258 : vector<2048x2048xf32>
    %lt3A = vector.broadcast %transpose3A_247 : vector<1x2048xf32> to vector<2048x2048xf32>
    %lt3A_260 = vector.broadcast %add3A_244 : vector<2048x1xf32> to vector<2048x2048xf32>
    %lt3A_261 = arith.cmpf olt, %lt3A, %lt3A_260 : vector<2048x2048xf32>
    %and3A_262 = arith.andi %eq3A_259, %lt3A_261 : vector<2048x2048xi1>
    %or3A_263 = arith.ori %gt3A_256, %and3A_262 : vector<2048x2048xi1>
    %and3A_264 = arith.andi %eq3A_253, %or3A_263 : vector<2048x2048xi1>
    %or3A_265 = arith.ori %gt3A_250, %and3A_264 : vector<2048x2048xi1>
    %convert_element_type3A_266 = arith.extui %or3A_265 : vector<2048x2048xi1> to vector<2048x2048xi32>
    %convert_element_type3A_267 = arith.sitofp %convert_element_type3A_266 : vector<2048x2048xi32> to vector<2048x2048xf32>
    %reduce_sum3A_268 = arith.constant dense<0.000000e+00> : vector<2048xf32>
    %reduce_sum3A_269 = vector.multi_reduction <add>, %convert_element_type3A_267, %reduce_sum3A_268 [1] : vector<2048x2048xf32> to vector<2048xf32>
    %broadcast_in_dim3A_270 = vector.shape_cast %reduce_sum3A_269 : vector<2048xf32> to vector<2048x1xf32>
    %transpose3A_271 = tpu.transpose %broadcast_in_dim3A_270, [1, 0] : vector<2048x1xf32> -> vector<1x2048xf32>
    %convert_element_type3A_272 = arith.fptosi %transpose3A_271 : vector<1x2048xf32> to vector<1x2048xi32>
    %iota3A_273 = tpu.iota {dimensions = array<i32: 0>} : vector<2048x2048xi32>
    %eq3A_274 = vector.broadcast %convert_element_type3A_272 : vector<1x2048xi32> to vector<2048x2048xi32>
    %eq3A_275 = arith.cmpi eq, %eq3A_274, %iota3A_273 : vector<2048x2048xi32>
    %jit3A_276 = arith.constant 1.000000e+00 : f32
    %jit3A_277 = arith.constant 0.000000e+00 : f32
    %broadcast_in_dim3A_278 = vector.broadcast %jit3A_276 : f32 to vector<2048x2048xf32>
    %broadcast_in_dim3A_279 = vector.broadcast %jit3A_277 : f32 to vector<2048x2048xf32>
    %select_n3A_280 = arith.select %eq3A_275, %broadcast_in_dim3A_278, %broadcast_in_dim3A_279 : vector<2048x2048xi1>, vector<2048x2048xf32>
    %broadcast_in_dim3A_281 = arith.constant 0.000000e+00 : f32
    %broadcast_in_dim3A_282 = vector.broadcast %broadcast_in_dim3A_281 : f32 to vector<2048x6xf32>
    %concatenate3A_283 = tpu.concatenate %slice3A_231, %slice3A_232, %broadcast_in_dim3A_282 in 1 : vector<2048x1xf32>, vector<2048x1xf32>, vector<2048x6xf32> -> vector<2048x8xf32>
    %dot_general3A_284 = arith.constant dense<0.000000e+00> : vector<2048x8xf32>
    %dot_general3A_285 = tpu.matmul %select_n3A_280, %concatenate3A_283, %dot_general3A_284 {dimension_numbers = #tpu.dot_dimension_numbers<[1], [0], [0], [1], [0, 0, 1, 1], [], []>, transpose_lhs_hint = false} : vector<2048x2048xf32>, vector<2048x8xf32>, vector<2048x8xf32> -> vector<2048x8xf32>
    %swap3A = arith.constant 0 : index
    %swap3A_286 = arith.constant 0 : index
    %swap3A_287 = vector.load %arg4[%swap3A, %swap3A_286] : memref<2048x8xf32, #tpu.memory_space<vmem>>, vector<2048x8xf32>
    tpu.vector_store %arg4[%swap3A, %swap3A_286], %dot_general3A_285 {strides = array<i32>} : memref<2048x8xf32, #tpu.memory_space<vmem>>, vector<2048x8xf32>,
    return
  }
}

</mosaic_0001>

<sc_bundles>
// kernel: gather_offload_async_start
scs
__scs_entry_jumppad:
0x0: {  	(pc) =	sbr.rel $0x88, $3  }
0x1: {  	(tag) =	ssettag $0x0;
	lr =	simm.s32 $0x1  }
0x2: {  	[smem:$0x3F9E] =	sst lr;
	_ =	strace $0xD0000000  }
0x3: {  	_ = 	snop  }
0x4: {  	_ = 	snop  }
0x5: {  	_ = 	snop  }
0x6: {  	_ = 	snop  }
0x7: {  	_ = 	snop  }
__scs_overlays_trampoline_lowered:
0x8: {  	[smem:$0x3FAD] =	sst s0  }
0x9: {  	[smem:$0x3FAE] =	sst s1  }
0xa: {  	[smem:$0x3FAF] =	sst s2  }
0xb: {  	[smem:$0x3FB0] =	sst s3  }
0xc: {  	[smem:$0x3FB1] =	sst s4  }
0xd: {  	[smem:$0x3FB2] =	sst s5  }
0xe: {  	[smem:$0x3FB3] =	sst s6  }
0xf: {  	[smem:$0x3FB4] =	sst s7  }
0x10: {  	[smem:$0x3FB5] =	sst s8  }
0x11: {  	[smem:$0x3FB6] =	sst s9;
	s0 =	simm.s32 @!p0 $0x0  }
0x12: {  	s1 =	sld [smem:$0x3F9C];
	s0 =	simm.s32 @p0 $0x1  }
0x13: {  	[smem:$0x3FB7] =	sst s0;
	s0 =	simm.s32 @!p1 $0x0  }
0x14: {  	s2 =	sld [smem:$0x3F9B];
	s0 =	simm.s32 @p1 $0x1  }
0x15: {  	[smem:$0x3FB8] =	sst s0;
	s0 =	simm.s32 @!p2 $0x0  }
0x16: {  	s3 =	sld [smem:$0x3FDB];
	s0 =	simm.s32 @p2 $0x1  }
0x17: {  	s4 =	simm.s32 $0x1BF5;
	[smem:$0x3FBA] =	sst s0  }
0x18: {  	s0 =	sld [smem:$0x3F9D];
	_ =	swait.ge [sflag:s4], $0x0  }
0x19: {  	s7 =	sld [smem:$0x3F9E]  }
0x1a: {  	s8 =	sadd.s32 $0xFFFFE003, lr  }
0x1b: {  	s9 =	sadd.s32 $0xFFFFFEF7, lr;
	s5 =	simm.s32 $0xFFFFFFFF;
	p2 =	slt.u32 s8, $0xFFFFF086  }
0x1c: {  	p1 =	slt.u32 s9, $0xF7A;
	s5 =	simm.s32 @!p2 $0x0  }
0x1d: {  	s5 =	simm.s32 @p1 $0x1;
	p0 =	seq.s32 s7, s2  }
0x1e: {  	s7 =	smul.u32 @!p0 $0xF7A, s2;
	p2 =	seq.s32 @!p0 s5, $0x0  }
0x1f: {  	s9 =	smul.u32 $0xF7A, s1;
	s8 =	simm.s32 @!p0 $0x1BF5;
	p2 =	por !p2, p0  }
0x20: {  	[sflag:s8] =	ssyncset.s32 @!p0 $0xFFFFF086;
	s6 =	sadd.s32 @!p0 s3, s7;
	s7 =	simm.s32 @!p0 $0x108  }
0x21: {  	s3 =	sadd.s32 s3, s9;
	s6 =	sadd.s32 @!p0 $0x88, s6;
	s7 =	simm.s32 @p2 $0x1082  }
0x22: {  	[simem:s7], [sflag:s8] =	dma.local @!p0 [hbm:s6], $0xF7A  }
0x23: {  	s9 =	sor.u32 $0xD0000000, s2;
	s6 =	simm.s32 $0x108;
	_ =	swait.ge @!p0 [sflag:s8], $0x0  }
0x24: {  	s3 =	sadd.s32 $0x88, s3;
	s6 =	simm.s32 @!p1 $0x1082;
	[sflag:s4] =	ssyncset.s32 $0xFFFFF086  }
0x25: {  	[simem:s6], [sflag:s4] =	dma.local [hbm:s3], $0xF7A  }
0x26: {  	[smem:$0x3F9E] =	sst s1;
	(tag) =	ssettag s2;
	_ =	strace s9  }
0x27: {  	s1 =	sld [smem:$0x3FAE]  }
0x28: {  	s2 =	sld [smem:$0x3FAF]  }
0x29: {  	s4 =	sld [smem:$0x3FB1]  }
0x2a: {  	p0 =	seq.s32 s5, $0x0;
	s5 =	sld [smem:$0x3FB2]  }
0x2b: {  	s6 =	sld [smem:$0x3FB3]  }
0x2c: {  	s7 =	sld [smem:$0x3FB4]  }
0x2d: {  	s3 =	simm.s32 $0x108;
	s8 =	sld [smem:$0x3FB5]  }
0x2e: {  	s3 =	simm.s32 @!p0 $0x1082;
	s9 =	sld [smem:$0x3FB6]  }
0x2f: {  	lr =	sadd.s32 s0, s3;
	s0 =	sld [smem:$0x3FAD]  }
0x30: {  	s3 =	sld [smem:$0x3FB0]  }
0x31: {  	[smem:$0x3FB9] =	sst s10  }
0x32: {  	s10 =	sld [smem:$0x3FB7];
	_ =	sdelay $0x3  }
0x33: {  	p0 =	seq.s32 s10, $0x1;
	s10 =	sld [smem:$0x3FB9];
	_ =	sdelay $0x3  }
0x34: {  	[smem:$0x3FB9] =	sst s10  }
0x35: {  	s10 =	sld [smem:$0x3FB8];
	_ =	sdelay $0x3  }
0x36: {  	p1 =	seq.s32 s10, $0x1;
	s10 =	sld [smem:$0x3FB9];
	_ =	sdelay $0x3  }
0x37: {  	[smem:$0x3FB9] =	sst s10  }
0x38: {  	s10 =	sld [smem:$0x3FBA]  }
0x39: {  	_ = 	snop;
	(pc) =	sbr.ind lr, $3  }
0x3a: {  	_ = 	snop  }
0x3b: {  	_ = 	snop  }
0x3c: {  	p2 =	seq.s32 s10, $0x1;
	s10 =	sld [smem:$0x3FB9]  }
0x3d: {  	_ =	shalt  }
0x3e: {  	_ =	shalt  }
0x3f: {  	_ =	shalt  }
0x40: {  	_ =	shalt  }
0x41: {  	_ =	shalt  }
0x42: {  	_ =	shalt  }
0x43: {  	_ =	shalt  }
0x44: {  	_ =	shalt  }
0x45: {  	_ =	shalt  }
0x46: {  	_ =	shalt  }
0x47: {  	_ =	shalt  }
0x48: {  	_ =	shalt  }
0x49: {  	_ =	shalt  }
0x4a: {  	_ =	shalt  }
0x4b: {  	_ =	shalt  }
0x4c: {  	_ =	shalt  }
0x4d: {  	_ =	shalt  }
0x4e: {  	_ =	shalt  }
0x4f: {  	_ =	shalt  }
0x50: {  	_ =	shalt  }
0x51: {  	_ =	shalt  }
0x52: {  	_ =	shalt  }
0x53: {  	_ =	shalt  }
0x54: {  	_ =	shalt  }
0x55: {  	_ =	shalt  }
0x56: {  	_ =	shalt  }
0x57: {  	_ =	shalt  }
0x58: {  	_ =	shalt  }
0x59: {  	_ =	shalt  }
0x5a: {  	_ =	shalt  }
0x5b: {  	_ =	shalt  }
0x5c: {  	_ =	shalt  }
0x5d: {  	_ =	shalt  }
0x5e: {  	_ =	shalt  }
0x5f: {  	_ =	shalt  }
0x60: {  	_ =	shalt  }
0x61: {  	_ =	shalt  }
0x62: {  	_ =	shalt  }
0x63: {  	_ =	shalt  }
0x64: {  	_ =	shalt  }
0x65: {  	_ =	shalt  }
0x66: {  	_ =	shalt  }
0x67: {  	_ =	shalt  }
0x68: {  	_ =	shalt  }
0x69: {  	_ =	shalt  }
0x6a: {  	_ =	shalt  }
0x6b: {  	_ =	shalt  }
0x6c: {  	_ =	shalt  }
0x6d: {  	_ =	shalt  }
0x6e: {  	_ =	shalt  }
0x6f: {  	_ =	shalt  }
0x70: {  	_ =	shalt  }
0x71: {  	_ =	shalt  }
0x72: {  	_ =	shalt  }
0x73: {  	_ =	shalt  }
0x74: {  	_ =	shalt  }
0x75: {  	_ =	shalt  }
0x76: {  	_ =	shalt  }
0x77: {  	_ =	shalt  }
0x78: {  	_ =	shalt  }
0x79: {  	_ =	shalt  }
0x7a: {  	_ =	shalt  }
0x7b: {  	_ =	shalt  }
0x7c: {  	_ =	shalt  }
0x7d: {  	_ =	shalt  }
0x7e: {  	_ =	shalt  }
0x7f: {  	_ =	shalt  }
0x80: {  	_ =	shalt  }
0x81: {  	_ =	shalt  }
0x82: {  	_ =	shalt  }
0x83: {  	_ =	shalt  }
0x84: {  	_ =	shalt  }
0x85: {  	_ =	shalt  }
0x86: {  	_ =	shalt  }
0x87: {  	_ =	shalt  }
.Lfunc_end0:
.L_simem_size_0:
called_computation.1_lowered:
.L_overlay_start_0:
0x88: {  	s2 =	sld [smem:$0x3FD9]  }
0x89: {  	s3 =	sld [smem:$0x3FFE];
	_ =	sdelay $0x1  }
0x8a: {  	s1 =	srdreg.scid  }
0x8b: {  	s0 =	sand.u32 $0x1, s1  }
0x8c: {  	s15 =	sshll.u32 s0, $0xA;
	s2 =	sadd.s32 s3, s2  }
0x8d: {  	s2 =	sadd.s32 s2, s15  }
0x8e: {  	[smem:$0x3FC5] =	sst s2  }
0x8f: {  	_ = 	snop  }
0x90: {  	s16 =	sld [smem:$0x3FD0];
	_ =	sdelay $0x2  }
0x91: {  	s4 =	simm.s32 $0xB;
	s5 =	simm.s32 $0x10;
	s2 =	sld [smem:$0x3FC8]  }
0x92: {  	[smem:s5], [sflag:s4] =	dma.local [hbm:s16], $0x1  }
0x93: {  	_ =	swait.eq [sflag:s4], $0x1  }
0x94: {  	[sflag:s4] =	ssyncset.done $0x0  }
0x95: {  	[sflag:s4] =	ssyncadd.s32 $0xFFFFFFFF  }
0x96: {  	s17 =	sld [smem:$0x11];
	(tm) =	ssettm $0x1  }
0x97: {  	s18 =	sld [smem:$0x3FFB];
	_ =	sdelay $0x3  }
0x98: {  	_ =	strace s18  }
0x99: {  	s3 =	sld [smem:$0x3FFC];
	_ =	sdelay $0x3  }
0x9a: {  	_ =	strace s3  }
0x9b: {  	s3 =	sld [smem:$0x3FFD];
	_ =	sdelay $0x3  }
0x9c: {  	_ =	strace s3  }
0x9d: {  	_ =	strace $0x8FFFFFFF  }
0x9e: {  	s19 =	sld [smem:$0x3FDB];
	_ =	sdelay $0x1  }
0x9f: {  	s20 =	simm.s32 $_scs_section_size  }
0xa0: {  	s6 =	simm.s32 $_size__tile_overlayer_lowered;
	s7 =	simm.s32 $_tile_overlayer_lowered  }
0xa1: {  	s8 =	simm.s32 $0x1BFF;
	s21 =	sshll.u32 s7, $0x1;
	s5 =	sadd.s32 s20, s19  }
0xa2: {  	s22 =	simm.s32 $0x0;
	s6 =	sshll.u32 s6, $0x1;
	s7 =	sadd.s32 s21, s5  }
0xa3: {  	[timem:s22], [sflag:s8] =	dma.local [hbm:s7], s6  }
0xa4: {  	_ =	swait.ge [sflag:s8], s6  }
0xa5: {  	s6 =	ssub.s32 $0x0, s6;
	[sflag:s8] =	ssyncset.done $0x0  }
0xa6: {  	[sflag:s8] =	ssyncadd.s32 s6;
	_ =	sdelay $0x1  }
0xa7: {  	s23 =	simm.s32 $0x1B8B  }
0xa8: {  	_ =	swait.ge [sflag:s23], $0x1  }
0xa9: {  	[sflag:s23] =	ssyncset.done $0x0  }
0xaa: {  	[sflag:s23] =	ssyncadd.s32 $0xFFFFFFFF  }
0xab: {  	s6 =	sld [smem:$0x0]  }
0xac: {  	s7 =	sand.u32 $0xFFFFFFFE, s1  }
0xad: {  	p0 =	sne.s32 s1, s7  }
0xae: {  	s7 =	sshll.u32 @p0 s7, $0xE  }
0xaf: {  	s7 =	sadd.s32 @p0 $0x11B8D, s7;
	s8 =	sshll.u32 @p0 s6, $0x11  }
0xb0: {  	s7 =	sor.u32 @p0 s8, s7  }
0xb1: {  	[sflag:s7] =	ssyncadd.remote.s32 @p0 $0x1;
	_ =	sdelay $0x1  }
0xb2: {  	s7 =	simm.s32 @p0 $0x1B8D  }
0xb3: {  	_ =	swait.eq @p0 [sflag:s7], $0x1  }
0xb4: {  	[sflag:s7] =	ssyncadd.s32 @p0 $0xFFFFFFFF  }
0xb5: {  	s8 =	sshll.u32 @!p0 s1, $0xE  }
0xb6: {  	s8 =	sor.u32 @!p0 $0x4000, s8;
	s7 =	simm.s32 @!p0 $0x1B8D  }
0xb7: {  	s6 =	sshll.u32 @!p0 s6, $0x11;
	s8 =	sadd.s32 @!p0 $0x11B8D, s8;
	_ =	swait.eq @!p0 [sflag:s7], $0x1  }
0xb8: {  	s6 =	sor.u32 @!p0 s6, s8;
	[sflag:s7] =	ssyncadd.s32 @!p0 $0xFFFFFFFF  }
0xb9: {  	s25 =	simm.s32 $0x1B8E;
	s24 =	sld [smem:$0x3FFE];
	[sflag:s6] =	ssyncadd.remote.s32 @!p0 $0x1  }
0xba: {  	s26 =	simm.s32 $execute0_lowered;
	[smem:$0x3FD2] =	sst s25  }
0xbb: {  	s7 =	sshll.u32 s26, $0x1;
	_ =	strace $0x8000004C;
	[dreg:$0x1] =	wrdreg $0xFFFFFFFF  }
0xbc: {  	s28 =	simm.s32 $_size_execute0_lowered;
	s5 =	sadd.s32 s5, s7;
	[dreg:$0x0] =	wrdreg $0x0  }
0xbd: {  	s7 =	sshll.u32 s28, $0x1;
	[dreg:$0x2] =	wrdreg s5  }
0xbe: {  	[dreg:$0x3] =	wrdreg s7  }
0xbf: {  	[dreg:$0x4] =	wrdreg $0xC0  }
0xc0: {  	_ =	task [dreg:s22], $0x5FFFF  }
0xc1: {  	[dreg:$0x1] =	wrdreg $0xFFFFFFFF  }
0xc2: {  	[dreg:$0x0] =	wrdreg $0x60  }
0xc3: {  	[dreg:$0x2] =	wrdreg s2  }
0xc4: {  	[dreg:$0x3] =	wrdreg s24  }
0xc5: {  	[dreg:$0x4] =	wrdreg s17  }
0xc6: {  	[dreg:$0x5] =	wrdreg $0x9  }
0xc7: {  	_ =	task.clear_ibuf [dreg:s22], $0x6FFFF;
	_ =	strace $0x9000004C  }
0xc8: {  	s29 =	simm.s32 $0x9;
	_ =	strace $0x8000004E  }
0xc9: {  	_ =	swait.ge [sflag:s29], $0x1  }
0xca: {  	[sflag:s29] =	ssyncadd.s32 $0xFFFFFFFF  }
0xcb: {  	_ =	strace $0x9000004E  }
0xcc: {  	_ =	sfence  }
0xcd: {  	s30 =	sld [smem:$0x0];
	_ =	sdelay $0x2  }
0xce: {  	s31 =	sshll.u32 s1, $0xD;
	s1 =	sshrl.u32 s1, $0x2  }
0xcf: {  	s4 =	sand.u32 $0x4000, s31;
	s1 =	sadd.s32 s1, s30  }
0xd0: {  	s0 =	sor.u32 s4, s0;
	s1 =	sshll.u32 s1, $0x11  }
0xd1: {  	s0 =	sor.u32 s1, s0  }
0xd2: {  	s0 =	sadd.s32 $0x8F2B, s0  }
0xd3: {  	[sflag:s0] =	ssyncadd.remote.s32 $0x1  }
0xd4: {  	_ =	sfence.sel $0xFFFF  }
0xd5: {  	[dreg:$0x0] =	wrdreg $0xFFFFFFFF;
	(pc) =	sbr.abs _section_cstart, $3  }
0xd6: {  	[dreg:$0x1] =	wrdreg $0xFFFFFFFF  }
0xd7: {  	_ =	task.clear_ibuf [dreg:s22], $0x2FFFF;
	_ =	strace $0x9FFFFFFF  }
0xd8: {  	(tm) =	ssettm $0x7FFFFFFF  }
0xd9: {  	_ =	shalt  }
tec
execute0_lowered:
.L_overlay_start_1:
0x0: {  	(tag) =	ssettag $0x1  }
0x1: {  	s1 =	srdreg.scid;
	s2 =	rddreg [dreg:$0x0]  }
0x2: {  	s0 =	stileid.u32;
	s6 =	rddreg [dreg:$0x1];
	s1 =	sshll.u32 s1, $0x5  }
0x3: {  	s3 =	rddreg [dreg:$0x2];
	s4 =	sshll.u32 s0, $0x6;
	s1 =	sand.u32 $0x20, s1  }
0x4: {  	s7 =	simm.s32 $0x1;
	s30 =	simm.s32 $0x2;
	s4 =	sor.u32 s4, s1  }
0x5: {  	s31 =	simm.s32 $0x3;
	s11 =	simm.s32 $0x0;
	s5 =	ssub.s32 $0x800, s4  }
0x6: {  	s9 =	simm.s32 $0x0;
	s6 =	sadd.s32 $0x8000, s6;
	s8 =	sand.u32 $0x3E0, s5  }
0x7: {  	s1 =	rddreg [dreg:$0x3];
	_ =	strace $0x8000004D;
	p0 =	sne.s32 s8, $0x0  }
0x8: {  	[sflag:s7] =	ssyncpa.u1 $0x0;
	s5 =	sshrl.u32 s5, $0xA;
	s7 =	simm.s32 @!p0 $0x0  }
0x9: {  	s10 =	smov.u32 s4;
	[sflag:s30] =	ssyncpa.u1 $0x0;
	s5 =	sadd.s32 s7, s5  }
0xa: {  	[sflag:s31] =	ssyncpa.u1 $0x0;
	s8 =	simm.s32 $0x0;
	s7 =	sadd.s32 $0x1, s5  }
.LBB2_1:
0xb: {  	p0 =	sge.u32 s9, s5  }
0xc: {  	s31 =	sadd.s32 $0xFFFFFFFF, s9;
	s12 =	sxor.u32 @!p0 $0xFFFFFFFF, s8;
	s13 =	sshrl.u32 @!p0 s10, $0x3  }
0xd: {  	s14 =	sand.u32 @!p0 $0x7, s10;
	s12 =	sand.u32 @!p0 $0x20, s12;
	s13 =	sadd.s32 @!p0 s6, s13  }
0xe: {  	[tilespmem:s12], [sflag:$0x2] =	stream.linear.gather @!p0 [hbm4b:s13+s14], $0x20, $0x38;
	[tilespmem:$0x80] =	vst v63  }
0xf: {  	p0 =	sge.u32 s31, s5  }
0x10: {  	s12 =	simm.s32 @!p0 $0x2  }
0x11: {  	_ =	swait.ge @!p0 [sflag:s12], $0x20  }
0x12: {  	[sflag:s12] =	ssyncset.done @!p0 $0x0  }
0x13: {  	[sflag:s12] =	ssyncadd.s32 @!p0 $0xFFFFFFE0;
	s12 =	sand.u32 @!p0 $0x20, s8  }
0x14: {  	(ifvalue) =	ssetifvalue @!p0 $0x7FFFFFFF;
	v0 =	vld.msk @!p0 [tilespmem:s12+$0x0 ss:$0x1], $0xffff;
	_ =	sdelay $0x4  }
0x15: {  	vm0 =	vgt.s32 @!p0 v0, $0x0  }
0x16: {  	v0 =	vnsel @!p0 vm0, $0x0, v0  }
0x17: {  	v0 =	vmin.u32 @!p0 v0, $0x1FFF;
	_ =	sdelay $0x2  }
0x18: {  	s14 =	simm.s32 @!p0 $0x0  }
0x19: {  	s13 =	sor.u32 @!p0 $0x40, s12;
	(ifvalue) =	ssetifvalue @!p0 $0x7FFFFFFF;
	s15 =	sor.u32 @!p0 $0x10, s12;
	vm0 =	vmmov @!p0 $0xffff  }
0x1a: {  	[tilespmem:s13], [sflag:$0x1] =	stream.indirect_vreg.gather @!p0 [hbm4b:s2+s14], $0x1, v0, vm0, $0x4038;
	[tilespmem:$0x80] =	vst v63  }
0x1b: {  	v0 =	vld.msk @!p0 [tilespmem:s15+$0x0 ss:$0x1], $0xffff;
	_ =	sdelay $0x4  }
0x1c: {  	vm1 =	vgt.s32 @!p0 v0, $0x0  }
0x1d: {  	v0 =	vnsel @!p0 vm1, $0x0, v0  }
0x1e: {  	v0 =	vmin.u32 @!p0 v0, $0x1FFF;
	_ =	sdelay $0x3  }
0x1f: {  	s12 =	sor.u32 @!p0 $0x50, s12;
	(ifvalue) =	ssetifvalue @!p0 $0x7FFFFFFF  }
0x20: {  	[tilespmem:s12], [sflag:$0x1] =	stream.indirect_vreg.gather @!p0 [hbm4b:s2+s14], $0x1, v0, vm0, $0x4038;
	[tilespmem:$0x80] =	vst v63  }
0x21: {  	s12 =	simm.s32 @!p0 $0x1  }
0x22: {  	_ =	swait.ge @!p0 [sflag:s12], $0x20  }
0x23: {  	s14 =	sshrl.u32 @!p0 s11, $0x3;
	[sflag:s12] =	ssyncset.done @!p0 $0x0  }
0x24: {  	s11 =	sand.u32 @!p0 $0x7, s11;
	[sflag:s12] =	ssyncadd.s32 @!p0 $0xFFFFFFE0;
	s12 =	sadd.s32 @!p0 s3, s14  }
0x25: {  	[hbm4b:s12+s11] =	stream.linear.scatter @!p0 [tilespmem:s13], [sflag:$0x3], $0x20, $0x38;
	[tilespmem:$0x80] =	vst v63  }
0x26: {  	s13 =	sadd.s32 $0x400, s10  }
0x27: {  	p1 =	sgt.s32 s13, $0x7FF  }
0x28: {  	s13 =	smov.u32 @p1 s4;
	p1 =	sne.s32 s9, s7  }
.Ltmp0:
0x29: {  	p0 =	slt.u32 s9, $0x2;
	(pc) =	sbr.rel @p1 .LBB2_1-.Ltmp0, $4  }
0x2a: {  	s12 =	simm.s32 @!p0 $0x3  }
0x2b: {  	_ =	swait.ge @!p0 [sflag:s12], $0x20  }
0x2c: {  	s8 =	sadd.s32 $0x20, s8;
	s11 =	smov.u32 s10;
	[sflag:s12] =	ssyncset.done @!p0 $0x0  }
0x2d: {  	s9 =	sadd.s32 $0x1, s9;
	s10 =	smov.u32 s13;
	[sflag:s12] =	ssyncadd.s32 @!p0 $0xFFFFFFE0  }
0x2e: {  	_ =	sfence.sel $0x180000  }
0x2f: {  	s2 =	simm.s32 $0x2;
	[bflag:$0x0] =	sbarrier.arrive $0xFFFF  }
0x30: {  	s30 =	simm.s32 $0x3;
	[sflag:s2] =	ssyncpa.u1 $0x1  }
0x31: {  	s31 =	simm.s32 $0x1;
	[sflag:s30] =	ssyncpa.u1 $0x1  }
0x32: {  	[sflag:s31] =	ssyncpa.u1 $0x1  }
0x33: {  	p0 =	sne.s32 s0, $0x0;
	_ =	strace $0x9000004D  }
0x34: {  	s0 =	sadd.s32 @!p0 $0x100000, s1;
	[bflag:$0x2] =	sbarrier.arrive $0xFFFF  }
0x35: {  	[sflag:s0] =	ssyncadd.tile.s32 @!p0 $0x1;
	_ =	shalt  }
.Lfunc_end2:
_tile_overlayer_lowered:
.L_overlay_start_2:
0x36: {  	(tag) =	ssettag $0x2  }
0x37: {  	s0 =	rddreg [dreg:$0x0];
	s2 =	stileid.u32  }
0x38: {  	s1 =	rddreg [dreg:$0x1];
	p0 =	sne.s32 s2, $0x0  }
0x39: {  	s3 =	rddreg [dreg:$0x2];
	[bflag:$0x3] =	sbarrier.arrive $0xFFFF;
	s2 =	simm.s32 @!p0 $0x1C01  }
0x3a: {  	[timem:s3], [sflag:s2] =	dma.local @!p0 [hbm:s0], s1  }
0x3b: {  	s0 =	simm.s32 @!p0 $0x1  }
0x3c: {  	_ =	swait.ge @!p0 [sflag:s0], s1  }
0x3d: {  	s1 =	ssub.s32 @!p0 $0x0, s1;
	[sflag:s0] =	ssyncset.done @!p0 $0x0  }
0x3e: {  	[sflag:s0] =	ssyncadd.s32 @!p0 s1  }
0x3f: {  	[bflag:$0x3] =	sbarrier.arrive $0xFFFF  }
0x40: {  	_ =	shalt  }

// kernel: kernel.5.cloned.1.call-start
scs
__scs_entry_jumppad:
0x0: {  	(pc) =	sbr.rel $0x88, $3  }
0x1: {  	(tag) =	ssettag $0x0;
	lr =	simm.s32 $0x1  }
0x2: {  	[smem:$0x3F9E] =	sst lr;
	_ =	strace $0xD0000000  }
0x3: {  	_ = 	snop  }
0x4: {  	_ = 	snop  }
0x5: {  	_ = 	snop  }
0x6: {  	_ = 	snop  }
0x7: {  	_ = 	snop  }
__scs_overlays_trampoline_lowered:
0x8: {  	[smem:$0x3FAD] =	sst s0  }
0x9: {  	[smem:$0x3FAE] =	sst s1  }
0xa: {  	[smem:$0x3FAF] =	sst s2  }
0xb: {  	[smem:$0x3FB0] =	sst s3  }
0xc: {  	[smem:$0x3FB1] =	sst s4  }
0xd: {  	[smem:$0x3FB2] =	sst s5  }
0xe: {  	[smem:$0x3FB3] =	sst s6  }
0xf: {  	[smem:$0x3FB4] =	sst s7  }
0x10: {  	[smem:$0x3FB5] =	sst s8  }
0x11: {  	[smem:$0x3FB6] =	sst s9;
	s0 =	simm.s32 @!p0 $0x0  }
0x12: {  	s1 =	sld [smem:$0x3F9C];
	s0 =	simm.s32 @p0 $0x1  }
0x13: {  	[smem:$0x3FB7] =	sst s0;
	s0 =	simm.s32 @!p1 $0x0  }
0x14: {  	s2 =	sld [smem:$0x3F9B];
	s0 =	simm.s32 @p1 $0x1  }
0x15: {  	[smem:$0x3FB8] =	sst s0;
	s0 =	simm.s32 @!p2 $0x0  }
0x16: {  	s3 =	sld [smem:$0x3FDB];
	s0 =	simm.s32 @p2 $0x1  }
0x17: {  	s4 =	simm.s32 $0x1BF5;
	[smem:$0x3FBA] =	sst s0  }
0x18: {  	s0 =	sld [smem:$0x3F9D];
	_ =	swait.ge [sflag:s4], $0x0  }
0x19: {  	s7 =	sld [smem:$0x3F9E]  }
0x1a: {  	s8 =	sadd.s32 $0xFFFFE003, lr  }
0x1b: {  	s9 =	sadd.s32 $0xFFFFFEF7, lr;
	s5 =	simm.s32 $0xFFFFFFFF;
	p2 =	slt.u32 s8, $0xFFFFF086  }
0x1c: {  	p1 =	slt.u32 s9, $0xF7A;
	s5 =	simm.s32 @!p2 $0x0  }
0x1d: {  	s5 =	simm.s32 @p1 $0x1;
	p0 =	seq.s32 s7, s2  }
0x1e: {  	s7 =	smul.u32 @!p0 $0xF7A, s2;
	p2 =	seq.s32 @!p0 s5, $0x0  }
0x1f: {  	s9 =	smul.u32 $0xF7A, s1;
	s8 =	simm.s32 @!p0 $0x1BF5;
	p2 =	por !p2, p0  }
0x20: {  	[sflag:s8] =	ssyncset.s32 @!p0 $0xFFFFF086;
	s6 =	sadd.s32 @!p0 s3, s7;
	s7 =	simm.s32 @!p0 $0x108  }
0x21: {  	s3 =	sadd.s32 s3, s9;
	s6 =	sadd.s32 @!p0 $0x88, s6;
	s7 =	simm.s32 @p2 $0x1082  }
0x22: {  	[simem:s7], [sflag:s8] =	dma.local @!p0 [hbm:s6], $0xF7A  }
0x23: {  	s9 =	sor.u32 $0xD0000000, s2;
	s6 =	simm.s32 $0x108;
	_ =	swait.ge @!p0 [sflag:s8], $0x0  }
0x24: {  	s3 =	sadd.s32 $0x88, s3;
	s6 =	simm.s32 @!p1 $0x1082;
	[sflag:s4] =	ssyncset.s32 $0xFFFFF086  }
0x25: {  	[simem:s6], [sflag:s4] =	dma.local [hbm:s3], $0xF7A  }
0x26: {  	[smem:$0x3F9E] =	sst s1;
	(tag) =	ssettag s2;
	_ =	strace s9  }
0x27: {  	s1 =	sld [smem:$0x3FAE]  }
0x28: {  	s2 =	sld [smem:$0x3FAF]  }
0x29: {  	s4 =	sld [smem:$0x3FB1]  }
0x2a: {  	p0 =	seq.s32 s5, $0x0;
	s5 =	sld [smem:$0x3FB2]  }
0x2b: {  	s6 =	sld [smem:$0x3FB3]  }
0x2c: {  	s7 =	sld [smem:$0x3FB4]  }
0x2d: {  	s3 =	simm.s32 $0x108;
	s8 =	sld [smem:$0x3FB5]  }
0x2e: {  	s3 =	simm.s32 @!p0 $0x1082;
	s9 =	sld [smem:$0x3FB6]  }
0x2f: {  	lr =	sadd.s32 s0, s3;
	s0 =	sld [smem:$0x3FAD]  }
0x30: {  	s3 =	sld [smem:$0x3FB0]  }
0x31: {  	[smem:$0x3FB9] =	sst s10  }
0x32: {  	s10 =	sld [smem:$0x3FB7];
	_ =	sdelay $0x3  }
0x33: {  	p0 =	seq.s32 s10, $0x1;
	s10 =	sld [smem:$0x3FB9];
	_ =	sdelay $0x3  }
0x34: {  	[smem:$0x3FB9] =	sst s10  }
0x35: {  	s10 =	sld [smem:$0x3FB8];
	_ =	sdelay $0x3  }
0x36: {  	p1 =	seq.s32 s10, $0x1;
	s10 =	sld [smem:$0x3FB9];
	_ =	sdelay $0x3  }
0x37: {  	[smem:$0x3FB9] =	sst s10  }
0x38: {  	s10 =	sld [smem:$0x3FBA]  }
0x39: {  	_ = 	snop;
	(pc) =	sbr.ind lr, $3  }
0x3a: {  	_ = 	snop  }
0x3b: {  	_ = 	snop  }
0x3c: {  	p2 =	seq.s32 s10, $0x1;
	s10 =	sld [smem:$0x3FB9]  }
0x3d: {  	_ =	shalt  }
0x3e: {  	_ =	shalt  }
0x3f: {  	_ =	shalt  }
0x40: {  	_ =	shalt  }
0x41: {  	_ =	shalt  }
0x42: {  	_ =	shalt  }
0x43: {  	_ =	shalt  }
0x44: {  	_ =	shalt  }
0x45: {  	_ =	shalt  }
0x46: {  	_ =	shalt  }
0x47: {  	_ =	shalt  }
0x48: {  	_ =	shalt  }
0x49: {  	_ =	shalt  }
0x4a: {  	_ =	shalt  }
0x4b: {  	_ =	shalt  }
0x4c: {  	_ =	shalt  }
0x4d: {  	_ =	shalt  }
0x4e: {  	_ =	shalt  }
0x4f: {  	_ =	shalt  }
0x50: {  	_ =	shalt  }
0x51: {  	_ =	shalt  }
0x52: {  	_ =	shalt  }
0x53: {  	_ =	shalt  }
0x54: {  	_ =	shalt  }
0x55: {  	_ =	shalt  }
0x56: {  	_ =	shalt  }
0x57: {  	_ =	shalt  }
0x58: {  	_ =	shalt  }
0x59: {  	_ =	shalt  }
0x5a: {  	_ =	shalt  }
0x5b: {  	_ =	shalt  }
0x5c: {  	_ =	shalt  }
0x5d: {  	_ =	shalt  }
0x5e: {  	_ =	shalt  }
0x5f: {  	_ =	shalt  }
0x60: {  	_ =	shalt  }
0x61: {  	_ =	shalt  }
0x62: {  	_ =	shalt  }
0x63: {  	_ =	shalt  }
0x64: {  	_ =	shalt  }
0x65: {  	_ =	shalt  }
0x66: {  	_ =	shalt  }
0x67: {  	_ =	shalt  }
0x68: {  	_ =	shalt  }
0x69: {  	_ =	shalt  }
0x6a: {  	_ =	shalt  }
0x6b: {  	_ =	shalt  }
0x6c: {  	_ =	shalt  }
0x6d: {  	_ =	shalt  }
0x6e: {  	_ =	shalt  }
0x6f: {  	_ =	shalt  }
0x70: {  	_ =	shalt  }
0x71: {  	_ =	shalt  }
0x72: {  	_ =	shalt  }
0x73: {  	_ =	shalt  }
0x74: {  	_ =	shalt  }
0x75: {  	_ =	shalt  }
0x76: {  	_ =	shalt  }
0x77: {  	_ =	shalt  }
0x78: {  	_ =	shalt  }
0x79: {  	_ =	shalt  }
0x7a: {  	_ =	shalt  }
0x7b: {  	_ =	shalt  }
0x7c: {  	_ =	shalt  }
0x7d: {  	_ =	shalt  }
0x7e: {  	_ =	shalt  }
0x7f: {  	_ =	shalt  }
0x80: {  	_ =	shalt  }
0x81: {  	_ =	shalt  }
0x82: {  	_ =	shalt  }
0x83: {  	_ =	shalt  }
0x84: {  	_ =	shalt  }
0x85: {  	_ =	shalt  }
0x86: {  	_ =	shalt  }
0x87: {  	_ =	shalt  }
.Lfunc_end0:
.L_simem_size_0:
called_computation.2_lowered:
.L_overlay_start_0:
0x88: {  	s2 =	sld [smem:$0x3FD9]  }
0x89: {  	s3 =	sld [smem:$0x3FFE];
	_ =	sdelay $0x1  }
0x8a: {  	s1 =	srdreg.scid  }
0x8b: {  	s0 =	sand.u32 $0x1, s1  }
0x8c: {  	s14 =	sshll.u32 s0, $0xA;
	s2 =	sadd.s32 s3, s2  }
0x8d: {  	s2 =	sadd.s32 s2, s14  }
0x8e: {  	[smem:$0x3FC5] =	sst s2  }
0x8f: {  	_ = 	snop  }
0x90: {  	s2 =	sld [smem:$0x3FD0];
	_ =	sdelay $0x2  }
0x91: {  	s15 =	simm.s32 $0xB;
	s4 =	simm.s32 $0x10  }
0x92: {  	[smem:s4], [sflag:s15] =	dma.local [hbm:s2], $0x1  }
0x93: {  	_ =	swait.eq [sflag:s15], $0x1  }
0x94: {  	[sflag:s15] =	ssyncset.done $0x0  }
0x95: {  	[sflag:s15] =	ssyncadd.s32 $0xFFFFFFFF  }
0x96: {  	s16 =	sld [smem:$0x10];
	(tm) =	ssettm $0x1  }
0x97: {  	s17 =	sld [smem:$0x3FFB];
	_ =	sdelay $0x3  }
0x98: {  	_ =	strace s17  }
0x99: {  	s3 =	sld [smem:$0x3FFC];
	_ =	sdelay $0x3  }
0x9a: {  	_ =	strace s3  }
0x9b: {  	s3 =	sld [smem:$0x3FFD];
	_ =	sdelay $0x3  }
0x9c: {  	_ =	strace s3  }
0x9d: {  	_ =	strace $0x8FFFFFFF  }
0x9e: {  	s18 =	sld [smem:$0x3FDB];
	_ =	sdelay $0x1  }
0x9f: {  	s19 =	simm.s32 $_scs_section_size  }
0xa0: {  	s5 =	simm.s32 $_size__tile_overlayer_lowered;
	s6 =	simm.s32 $_tile_overlayer_lowered  }
0xa1: {  	s22 =	simm.s32 $0x1BFF;
	s21 =	sshll.u32 s6, $0x1;
	s3 =	sadd.s32 s19, s18  }
0xa2: {  	s7 =	simm.s32 $0x0;
	s20 =	sshll.u32 s5, $0x1;
	s5 =	sadd.s32 s21, s3  }
0xa3: {  	[timem:s7], [sflag:s22] =	dma.local [hbm:s5], s20  }
0xa4: {  	_ =	swait.ge [sflag:s22], s20  }
0xa5: {  	s4 =	ssub.s32 $0x0, s20;
	[sflag:s22] =	ssyncset.done $0x0  }
0xa6: {  	[sflag:s22] =	ssyncadd.s32 s4;
	_ =	sdelay $0x1  }
0xa7: {  	s23 =	simm.s32 $0x1B8B  }
0xa8: {  	_ =	swait.ge [sflag:s23], $0x1  }
0xa9: {  	[sflag:s23] =	ssyncset.done $0x0  }
0xaa: {  	s25 =	simm.s32 $0x1B8E;
	s24 =	sld [smem:$0x3FFE];
	[sflag:s23] =	ssyncadd.s32 $0xFFFFFFFF  }
0xab: {  	s26 =	simm.s32 $execute0_lowered;
	[smem:$0x3FD2] =	sst s25  }
0xac: {  	s5 =	sshll.u32 s26, $0x1;
	_ =	strace $0x80000049;
	[dreg:$0x1] =	wrdreg $0xFFFFFFFF  }
0xad: {  	s28 =	simm.s32 $_size_execute0_lowered;
	s3 =	sadd.s32 s3, s5;
	[dreg:$0x0] =	wrdreg $0x0  }
0xae: {  	s5 =	sshll.u32 s28, $0x1;
	[dreg:$0x2] =	wrdreg s3  }
0xaf: {  	[dreg:$0x3] =	wrdreg s5  }
0xb0: {  	[dreg:$0x4] =	wrdreg $0xC0  }
0xb1: {  	_ =	task [dreg:s7], $0x5FFFF  }
0xb2: {  	[dreg:$0x1] =	wrdreg $0xFFFFFFFF  }
0xb3: {  	[dreg:$0x0] =	wrdreg $0x60  }
0xb4: {  	[dreg:$0x2] =	wrdreg s24  }
0xb5: {  	[dreg:$0x3] =	wrdreg s16  }
0xb6: {  	[dreg:$0x4] =	wrdreg $0xA  }
0xb7: {  	_ =	task.clear_ibuf [dreg:s7], $0x5FFFF;
	_ =	strace $0x90000049  }
0xb8: {  	s29 =	simm.s32 $0xA;
	_ =	strace $0x8000004B  }
0xb9: {  	_ =	swait.ge [sflag:s29], $0x1  }
0xba: {  	[sflag:s29] =	ssyncadd.s32 $0xFFFFFFFF  }
0xbb: {  	_ =	strace $0x9000004B  }
0xbc: {  	_ =	sfence  }
0xbd: {  	s30 =	sld [smem:$0x0];
	_ =	sdelay $0x2  }
0xbe: {  	s31 =	sshll.u32 s1, $0xD;
	s1 =	sshrl.u32 s1, $0x2  }
0xbf: {  	s3 =	sand.u32 $0x4000, s31;
	s1 =	sadd.s32 s1, s30  }
0xc0: {  	s0 =	sor.u32 s3, s0;
	s1 =	sshll.u32 s1, $0x11  }
0xc1: {  	s0 =	sor.u32 s1, s0  }
0xc2: {  	s0 =	sadd.s32 $0x8F2B, s0  }
0xc3: {  	[sflag:s0] =	ssyncadd.remote.s32 $0x1  }
0xc4: {  	_ =	sfence.sel $0xFFFF  }
0xc5: {  	[dreg:$0x0] =	wrdreg $0xFFFFFFFF;
	(pc) =	sbr.abs _section_cstart, $3  }
0xc6: {  	[dreg:$0x1] =	wrdreg $0xFFFFFFFF  }
0xc7: {  	_ =	task.clear_ibuf [dreg:s7], $0x2FFFF;
	_ =	strace $0x9FFFFFFF  }
0xc8: {  	(tm) =	ssettm $0x7FFFFFFF  }
0xc9: {  	_ =	shalt  }
tec
execute0_lowered:
.L_overlay_start_1:
0x0: {  	(tag) =	ssettag $0x1  }
0x1: {  	s1 =	srdreg.scid;
	s9 =	rddreg [dreg:$0x0]  }
0x2: {  	s0 =	stileid.u32;
	s3 =	rddreg [dreg:$0x1];
	s6 =	sand.u32 $0x1, s1  }
0x3: {  	s2 =	simm.s32 $0x0;
	s4 =	sshll.u32 s0, $0x7;
	s5 =	sshll.u32 s6, $0x6  }
0x4: {  	s7 =	simm.s32 $0x80;
	[smem:$0x7FF] =	sst s2;
	s10 =	sor.u32 s5, s4  }
0x5: {  	s1 =	rddreg [dreg:$0x2];
	_ =	strace $0x8000004A;
	s4 =	sshrl.u32 s10, $0x3  }
0x6: {  	s11 =	ssub.s32 $0x2, s6;
	s4 =	sadd.s32 s3, s4;
	s3 =	simm.s32 $0x2  }
0x7: {  	[tilespmem:s2], [sflag:$0x2] =	stream.linear.gather [hbm4b:s4+s2], $0x40, $0x38;
	[tilespmem:$0x2080] =	vst v63  }
0x8: {  	s8 =	simm.s32 $0x1;
	s12 =	sshrl.u32 s11, $0x1;
	_ =	swait.ge [sflag:s3], $0x40  }
0x9: {  	s6 =	simm.s32 $0x40;
	s11 =	ssub.s32 s11, s12;
	[sflag:s3] =	ssyncset.done $0x0  }
0xa: {  	s5 =	sadd.s32 $0x20800, s9;
	s31 =	smax.u32 s11, $0x1;
	[sflag:s3] =	ssyncadd.s32 $0xFFFFFFC0  }
0xb: {  	[tilespmem:s7], [sflag:$0x1] =	stream.indirect.gather [hbm4b:s5+s6], $0x80, s2, s6, $0xb8;
	[tilespmem:$0x2080] =	vst v63  }
0xc: {  	p0 =	sne.s32 s31, $0x1;
	_ =	swait.ge [sflag:s8], $0x2000  }
.Ltmp0:
0xd: {  	s10 =	sshll.u32 s10, $0x4;
	[sflag:s8] =	ssyncset.done $0x0;
	(pc) =	sbr.rel @!p0 .LBB2_2-.Ltmp0, $4  }
0xe: {  	s9 =	sadd.s32 s9, s10;
	[sflag:s8] =	ssyncadd.s32 $0xFFFFE000  }
0xf: {  	[hbm4b:s9+s2] =	stream.linear.scatter [tilespmem:s7], [sflag:$0x2], $0x2000, $0x38;
	[tilespmem:$0x2080] =	vst v63  }
0x10: {  	_ =	swait.ge [sflag:s3], $0x2000  }
0x11: {  	s10 =	sadd.s32 $0xFFFFFFFF, s31;
	[sflag:s3] =	ssyncset.done $0x0  }
.LBB2_1:
0x12: {  	p0 =	sne.s32 s10, $0x1;
	s10 =	sadd.s32 $0xFFFFFFFF, s10;
	[sflag:s3] =	ssyncadd.s32 $0xFFFFE000  }
0x13: {  	[tilespmem:s2], [sflag:$0x2] =	stream.linear.gather [hbm4b:s4+s2], $0x40, $0x38;
	[tilespmem:$0x2080] =	vst v63  }
0x14: {  	_ =	swait.ge [sflag:s3], $0x40  }
0x15: {  	[sflag:s3] =	ssyncset.done $0x0  }
0x16: {  	[sflag:s3] =	ssyncadd.s32 $0xFFFFFFC0  }
0x17: {  	[tilespmem:s7], [sflag:$0x1] =	stream.indirect.gather [hbm4b:s5+s6], $0x80, s2, s6, $0xb8;
	[tilespmem:$0x2080] =	vst v63  }
0x18: {  	_ =	swait.ge [sflag:s8], $0x2000  }
.Ltmp1:
0x19: {  	[sflag:s8] =	ssyncset.done $0x0;
	(pc) =	sbr.rel @p0 .LBB2_1-.Ltmp1, $4  }
0x1a: {  	[sflag:s8] =	ssyncadd.s32 $0xFFFFE000  }
0x1b: {  	[hbm4b:s9+s2] =	stream.linear.scatter [tilespmem:s7], [sflag:$0x2], $0x2000, $0x38;
	[tilespmem:$0x2080] =	vst v63  }
0x1c: {  	_ =	swait.ge [sflag:s3], $0x2000  }
0x1d: {  	[sflag:s3] =	ssyncset.done $0x0  }
.LBB2_2:
0x1e: {  	[sflag:s3] =	ssyncadd.s32 $0xFFFFE000  }
0x1f: {  	_ =	sfence.sel $0x180000  }
0x20: {  	[bflag:$0x0] =	sbarrier.arrive $0xFFFF  }
0x21: {  	p0 =	sne.s32 s0, $0x0;
	_ =	strace $0x9000004A  }
0x22: {  	s0 =	sadd.s32 @!p0 $0x100000, s1;
	[bflag:$0x2] =	sbarrier.arrive $0xFFFF  }
0x23: {  	[sflag:s0] =	ssyncadd.tile.s32 @!p0 $0x1;
	_ =	shalt  }
.Lfunc_end2:
_tile_overlayer_lowered:
.L_overlay_start_2:
0x24: {  	(tag) =	ssettag $0x2  }
0x25: {  	s0 =	rddreg [dreg:$0x0];
	s2 =	stileid.u32  }
0x26: {  	s1 =	rddreg [dreg:$0x1];
	p0 =	sne.s32 s2, $0x0  }
0x27: {  	s3 =	rddreg [dreg:$0x2];
	[bflag:$0x3] =	sbarrier.arrive $0xFFFF;
	s2 =	simm.s32 @!p0 $0x1C02  }
0x28: {  	[timem:s3], [sflag:s2] =	dma.local @!p0 [hbm:s0], s1  }
0x29: {  	s0 =	simm.s32 @!p0 $0x2  }
0x2a: {  	_ =	swait.ge @!p0 [sflag:s0], s1  }
0x2b: {  	s1 =	ssub.s32 @!p0 $0x0, s1;
	[sflag:s0] =	ssyncset.done @!p0 $0x0  }
0x2c: {  	[sflag:s0] =	ssyncadd.s32 @!p0 s1  }
0x2d: {  	[bflag:$0x3] =	sbarrier.arrive $0xFFFF  }
0x2e: {  	_ =	shalt  }

// kernel: scatter_offload_async_start
scs
__scs_entry_jumppad:
0x0: {  	(pc) =	sbr.rel $0x88, $3  }
0x1: {  	(tag) =	ssettag $0x0;
	lr =	simm.s32 $0x1  }
0x2: {  	[smem:$0x3F9E] =	sst lr;
	_ =	strace $0xD0000000  }
0x3: {  	_ = 	snop  }
0x4: {  	_ = 	snop  }
0x5: {  	_ = 	snop  }
0x6: {  	_ = 	snop  }
0x7: {  	_ = 	snop  }
__scs_overlays_trampoline_lowered:
0x8: {  	[smem:$0x3FAD] =	sst s0  }
0x9: {  	[smem:$0x3FAE] =	sst s1  }
0xa: {  	[smem:$0x3FAF] =	sst s2  }
0xb: {  	[smem:$0x3FB0] =	sst s3  }
0xc: {  	[smem:$0x3FB1] =	sst s4  }
0xd: {  	[smem:$0x3FB2] =	sst s5  }
0xe: {  	[smem:$0x3FB3] =	sst s6  }
0xf: {  	[smem:$0x3FB4] =	sst s7  }
0x10: {  	[smem:$0x3FB5] =	sst s8  }
0x11: {  	[smem:$0x3FB6] =	sst s9;
	s0 =	simm.s32 @!p0 $0x0  }
0x12: {  	s1 =	sld [smem:$0x3F9C];
	s0 =	simm.s32 @p0 $0x1  }
0x13: {  	[smem:$0x3FB7] =	sst s0;
	s0 =	simm.s32 @!p1 $0x0  }
0x14: {  	s2 =	sld [smem:$0x3F9B];
	s0 =	simm.s32 @p1 $0x1  }
0x15: {  	[smem:$0x3FB8] =	sst s0;
	s0 =	simm.s32 @!p2 $0x0  }
0x16: {  	s3 =	sld [smem:$0x3FDB];
	s0 =	simm.s32 @p2 $0x1  }
0x17: {  	s4 =	simm.s32 $0x1BF5;
	[smem:$0x3FBA] =	sst s0  }
0x18: {  	s0 =	sld [smem:$0x3F9D];
	_ =	swait.ge [sflag:s4], $0x0  }
0x19: {  	s7 =	sld [smem:$0x3F9E]  }
0x1a: {  	s8 =	sadd.s32 $0xFFFFE003, lr  }
0x1b: {  	s9 =	sadd.s32 $0xFFFFFEF7, lr;
	s5 =	simm.s32 $0xFFFFFFFF;
	p2 =	slt.u32 s8, $0xFFFFF086  }
0x1c: {  	p1 =	slt.u32 s9, $0xF7A;
	s5 =	simm.s32 @!p2 $0x0  }
0x1d: {  	s5 =	simm.s32 @p1 $0x1;
	p0 =	seq.s32 s7, s2  }
0x1e: {  	s7 =	smul.u32 @!p0 $0xF7A, s2;
	p2 =	seq.s32 @!p0 s5, $0x0  }
0x1f: {  	s9 =	smul.u32 $0xF7A, s1;
	s8 =	simm.s32 @!p0 $0x1BF5;
	p2 =	por !p2, p0  }
0x20: {  	[sflag:s8] =	ssyncset.s32 @!p0 $0xFFFFF086;
	s6 =	sadd.s32 @!p0 s3, s7;
	s7 =	simm.s32 @!p0 $0x108  }
0x21: {  	s3 =	sadd.s32 s3, s9;
	s6 =	sadd.s32 @!p0 $0x88, s6;
	s7 =	simm.s32 @p2 $0x1082  }
0x22: {  	[simem:s7], [sflag:s8] =	dma.local @!p0 [hbm:s6], $0xF7A  }
0x23: {  	s9 =	sor.u32 $0xD0000000, s2;
	s6 =	simm.s32 $0x108;
	_ =	swait.ge @!p0 [sflag:s8], $0x0  }
0x24: {  	s3 =	sadd.s32 $0x88, s3;
	s6 =	simm.s32 @!p1 $0x1082;
	[sflag:s4] =	ssyncset.s32 $0xFFFFF086  }
0x25: {  	[simem:s6], [sflag:s4] =	dma.local [hbm:s3], $0xF7A  }
0x26: {  	[smem:$0x3F9E] =	sst s1;
	(tag) =	ssettag s2;
	_ =	strace s9  }
0x27: {  	s1 =	sld [smem:$0x3FAE]  }
0x28: {  	s2 =	sld [smem:$0x3FAF]  }
0x29: {  	s4 =	sld [smem:$0x3FB1]  }
0x2a: {  	p0 =	seq.s32 s5, $0x0;
	s5 =	sld [smem:$0x3FB2]  }
0x2b: {  	s6 =	sld [smem:$0x3FB3]  }
0x2c: {  	s7 =	sld [smem:$0x3FB4]  }
0x2d: {  	s3 =	simm.s32 $0x108;
	s8 =	sld [smem:$0x3FB5]  }
0x2e: {  	s3 =	simm.s32 @!p0 $0x1082;
	s9 =	sld [smem:$0x3FB6]  }
0x2f: {  	lr =	sadd.s32 s0, s3;
	s0 =	sld [smem:$0x3FAD]  }
0x30: {  	s3 =	sld [smem:$0x3FB0]  }
0x31: {  	[smem:$0x3FB9] =	sst s10  }
0x32: {  	s10 =	sld [smem:$0x3FB7];
	_ =	sdelay $0x3  }
0x33: {  	p0 =	seq.s32 s10, $0x1;
	s10 =	sld [smem:$0x3FB9];
	_ =	sdelay $0x3  }
0x34: {  	[smem:$0x3FB9] =	sst s10  }
0x35: {  	s10 =	sld [smem:$0x3FB8];
	_ =	sdelay $0x3  }
0x36: {  	p1 =	seq.s32 s10, $0x1;
	s10 =	sld [smem:$0x3FB9];
	_ =	sdelay $0x3  }
0x37: {  	[smem:$0x3FB9] =	sst s10  }
0x38: {  	s10 =	sld [smem:$0x3FBA]  }
0x39: {  	_ = 	snop;
	(pc) =	sbr.ind lr, $3  }
0x3a: {  	_ = 	snop  }
0x3b: {  	_ = 	snop  }
0x3c: {  	p2 =	seq.s32 s10, $0x1;
	s10 =	sld [smem:$0x3FB9]  }
0x3d: {  	_ =	shalt  }
0x3e: {  	_ =	shalt  }
0x3f: {  	_ =	shalt  }
0x40: {  	_ =	shalt  }
0x41: {  	_ =	shalt  }
0x42: {  	_ =	shalt  }
0x43: {  	_ =	shalt  }
0x44: {  	_ =	shalt  }
0x45: {  	_ =	shalt  }
0x46: {  	_ =	shalt  }
0x47: {  	_ =	shalt  }
0x48: {  	_ =	shalt  }
0x49: {  	_ =	shalt  }
0x4a: {  	_ =	shalt  }
0x4b: {  	_ =	shalt  }
0x4c: {  	_ =	shalt  }
0x4d: {  	_ =	shalt  }
0x4e: {  	_ =	shalt  }
0x4f: {  	_ =	shalt  }
0x50: {  	_ =	shalt  }
0x51: {  	_ =	shalt  }
0x52: {  	_ =	shalt  }
0x53: {  	_ =	shalt  }
0x54: {  	_ =	shalt  }
0x55: {  	_ =	shalt  }
0x56: {  	_ =	shalt  }
0x57: {  	_ =	shalt  }
0x58: {  	_ =	shalt  }
0x59: {  	_ =	shalt  }
0x5a: {  	_ =	shalt  }
0x5b: {  	_ =	shalt  }
0x5c: {  	_ =	shalt  }
0x5d: {  	_ =	shalt  }
0x5e: {  	_ =	shalt  }
0x5f: {  	_ =	shalt  }
0x60: {  	_ =	shalt  }
0x61: {  	_ =	shalt  }
0x62: {  	_ =	shalt  }
0x63: {  	_ =	shalt  }
0x64: {  	_ =	shalt  }
0x65: {  	_ =	shalt  }
0x66: {  	_ =	shalt  }
0x67: {  	_ =	shalt  }
0x68: {  	_ =	shalt  }
0x69: {  	_ =	shalt  }
0x6a: {  	_ =	shalt  }
0x6b: {  	_ =	shalt  }
0x6c: {  	_ =	shalt  }
0x6d: {  	_ =	shalt  }
0x6e: {  	_ =	shalt  }
0x6f: {  	_ =	shalt  }
0x70: {  	_ =	shalt  }
0x71: {  	_ =	shalt  }
0x72: {  	_ =	shalt  }
0x73: {  	_ =	shalt  }
0x74: {  	_ =	shalt  }
0x75: {  	_ =	shalt  }
0x76: {  	_ =	shalt  }
0x77: {  	_ =	shalt  }
0x78: {  	_ =	shalt  }
0x79: {  	_ =	shalt  }
0x7a: {  	_ =	shalt  }
0x7b: {  	_ =	shalt  }
0x7c: {  	_ =	shalt  }
0x7d: {  	_ =	shalt  }
0x7e: {  	_ =	shalt  }
0x7f: {  	_ =	shalt  }
0x80: {  	_ =	shalt  }
0x81: {  	_ =	shalt  }
0x82: {  	_ =	shalt  }
0x83: {  	_ =	shalt  }
0x84: {  	_ =	shalt  }
0x85: {  	_ =	shalt  }
0x86: {  	_ =	shalt  }
0x87: {  	_ =	shalt  }
.Lfunc_end0:
.L_simem_size_0:
called_computation_lowered:
.L_overlay_start_0:
0x88: {  	s2 =	sld [smem:$0x3FD9]  }
0x89: {  	s3 =	sld [smem:$0x3FFE];
	_ =	sdelay $0x1  }
0x8a: {  	s1 =	srdreg.scid  }
0x8b: {  	s0 =	sand.u32 $0x1, s1  }
0x8c: {  	s13 =	sshll.u32 s0, $0xA;
	s2 =	sadd.s32 s3, s2  }
0x8d: {  	s2 =	sadd.s32 s2, s13  }
0x8e: {  	[smem:$0x3FC5] =	sst s2  }
0x8f: {  	_ = 	snop  }
0x90: {  	s2 =	sld [smem:$0x3FD0];
	_ =	sdelay $0x2  }
0x91: {  	s14 =	simm.s32 $0xB;
	s4 =	simm.s32 $0x10  }
0x92: {  	[smem:s4], [sflag:s14] =	dma.local [hbm:s2], $0x1  }
0x93: {  	_ =	swait.eq [sflag:s14], $0x1  }
0x94: {  	[sflag:s14] =	ssyncset.done $0x0  }
0x95: {  	[sflag:s14] =	ssyncadd.s32 $0xFFFFFFFF  }
0x96: {  	s15 =	sld [smem:$0x10];
	(tm) =	ssettm $0x1  }
0x97: {  	s16 =	sld [smem:$0x3FFB];
	_ =	sdelay $0x3  }
0x98: {  	_ =	strace s16  }
0x99: {  	s3 =	sld [smem:$0x3FFC];
	_ =	sdelay $0x3  }
0x9a: {  	_ =	strace s3  }
0x9b: {  	s3 =	sld [smem:$0x3FFD];
	_ =	sdelay $0x3  }
0x9c: {  	_ =	strace s3  }
0x9d: {  	_ =	strace $0x8FFFFFFF  }
0x9e: {  	s17 =	sld [smem:$0x3FDB];
	_ =	sdelay $0x1  }
0x9f: {  	s18 =	simm.s32 $_scs_section_size  }
0xa0: {  	s5 =	simm.s32 $_size__tile_overlayer_lowered;
	s6 =	simm.s32 $_tile_overlayer_lowered  }
0xa1: {  	s21 =	simm.s32 $0x1BFF;
	s20 =	sshll.u32 s6, $0x1;
	s3 =	sadd.s32 s18, s17  }
0xa2: {  	s7 =	simm.s32 $0x0;
	s19 =	sshll.u32 s5, $0x1;
	s5 =	sadd.s32 s20, s3  }
0xa3: {  	[timem:s7], [sflag:s21] =	dma.local [hbm:s5], s19  }
0xa4: {  	_ =	swait.ge [sflag:s21], s19  }
0xa5: {  	s4 =	ssub.s32 $0x0, s19;
	[sflag:s21] =	ssyncset.done $0x0  }
0xa6: {  	[sflag:s21] =	ssyncadd.s32 s4;
	_ =	sdelay $0x1  }
0xa7: {  	s22 =	simm.s32 $0x1B8B  }
0xa8: {  	_ =	swait.ge [sflag:s22], $0x1  }
0xa9: {  	[sflag:s22] =	ssyncset.done $0x0  }
0xaa: {  	s23 =	sld [smem:$0x3FFE];
	[sflag:s22] =	ssyncadd.s32 $0xFFFFFFFF  }
0xab: {  	s25 =	simm.s32 $0x1B8E;
	s24 =	sld [smem:$0x0]  }
0xac: {  	s26 =	simm.s32 $execute0_lowered;
	[smem:$0x3FD2] =	sst s25  }
0xad: {  	s6 =	sshll.u32 s26, $0x1;
	_ =	strace $0x80000046;
	[dreg:$0x1] =	wrdreg $0xFFFFFFFF  }
0xae: {  	s28 =	simm.s32 $_size_execute0_lowered;
	s3 =	sadd.s32 s3, s6;
	[dreg:$0x0] =	wrdreg $0x0  }
0xaf: {  	s6 =	sshll.u32 s28, $0x1;
	[dreg:$0x2] =	wrdreg s3  }
0xb0: {  	[dreg:$0x3] =	wrdreg s6  }
0xb1: {  	[dreg:$0x4] =	wrdreg $0xC0  }
0xb2: {  	_ =	task [dreg:s7], $0x5FFFF  }
0xb3: {  	[dreg:$0x1] =	wrdreg $0xFFFFFFFF  }
0xb4: {  	[dreg:$0x0] =	wrdreg $0x60  }
0xb5: {  	[dreg:$0x2] =	wrdreg s15  }
0xb6: {  	[dreg:$0x3] =	wrdreg s23  }
0xb7: {  	[dreg:$0x4] =	wrdreg s1  }
0xb8: {  	[dreg:$0x5] =	wrdreg s24  }
0xb9: {  	[dreg:$0x6] =	wrdreg $0x9  }
0xba: {  	_ =	task.clear_ibuf [dreg:s7], $0x7FFFF;
	_ =	strace $0x90000046  }
0xbb: {  	s29 =	simm.s32 $0x9;
	_ =	strace $0x80000048  }
0xbc: {  	_ =	swait.ge [sflag:s29], $0x1  }
0xbd: {  	[sflag:s29] =	ssyncadd.s32 $0xFFFFFFFF  }
0xbe: {  	_ =	strace $0x90000048  }
0xbf: {  	_ =	sfence  }
0xc0: {  	s30 =	sld [smem:$0x0];
	_ =	sdelay $0x2  }
0xc1: {  	s31 =	sshll.u32 s1, $0xD;
	s1 =	sshrl.u32 s1, $0x2  }
0xc2: {  	s3 =	sand.u32 $0x4000, s31;
	s1 =	sadd.s32 s1, s30  }
0xc3: {  	s0 =	sor.u32 s3, s0;
	s1 =	sshll.u32 s1, $0x11  }
0xc4: {  	s0 =	sor.u32 s1, s0  }
0xc5: {  	s0 =	sadd.s32 $0x8F2B, s0  }
0xc6: {  	[sflag:s0] =	ssyncadd.remote.s32 $0x1  }
0xc7: {  	_ =	sfence.sel $0xFFFF  }
0xc8: {  	[dreg:$0x0] =	wrdreg $0xFFFFFFFF;
	(pc) =	sbr.abs _section_cstart, $3  }
0xc9: {  	[dreg:$0x1] =	wrdreg $0xFFFFFFFF  }
0xca: {  	_ =	task.clear_ibuf [dreg:s7], $0x2FFFF;
	_ =	strace $0x9FFFFFFF  }
0xcb: {  	(tm) =	ssettm $0x7FFFFFFF  }
tec
execute0_lowered:
.L_overlay_start_1:
0x0: {  	(tag) =	ssettag $0x1  }
0x1: {  	s1 =	rddreg [dreg:$0x0]  }
0x2: {  	s6 =	rddreg [dreg:$0x1]  }
0x3: {  	s2 =	rddreg [dreg:$0x2];
	_ =	strace $0x80000047;
	s0 =	simm.s32 $0x1  }
0x4: {  	s4 =	simm.s32 $0x88;
	v0 =	vimm.s32 $0x0;
	[sflag:s0] =	ssyncpa.u1 $0x0  }
0x5: {  	[tilespmem:s4+$0x30] =	vst v0  }
0x6: {  	s5 =	simm.s32 $0x40;
	s0 =	sadd.s32 $0x20000, s6;
	s3 =	sand.u32 $0x1, s2;
	[tilespmem:s4+$0x20] =	vst v0  }
0x7: {  	s2 =	sadd.s32 $0x20400, s6;
	[dreg:$0x5] =	wrdreg s3;
	s3 =	sshll.u32 s3, $0x9;
	[tilespmem:s4+$0x10] =	vst v0  }
.LBB2_1:
0x8: {  	s5 =	sadd.s32 $0x40, s5  }
0x9: {  	[tilespmem:s4+$0x0] =	vst v0;
	s4 =	sadd.s32 $0x40, s4;
	p0 =	slt.u32 s5, $0x4040  }
.Ltmp0:
0xa: {  	(pc) =	sbr.rel @p0 .LBB2_1-.Ltmp0, $4  }
0xb: {  	_ = 	snop  }
0xc: {  	[tilespmem:s4+$0x30] =	vst v0  }
0xd: {  	[tilespmem:s4+$0x20] =	vst v0  }
0xe: {  	[tilespmem:s4+$0x10] =	vst v0  }
0xf: {  	s26 =	simm.s32 $0x2;
	s5 =	simm.s32 $0x9;
	s28 =	stileid.u32  }
0x10: {  	s29 =	simm.s32 $0xA;
	s30 =	simm.s32 $0xB;
	s0 =	sadd.s32 s3, s0  }
0x11: {  	s31 =	sadd.s32 s3, s2;
	s16 =	simm.s32 $0x0;
	s17 =	simm.s32 $0x8848  }
0x12: {  	s11 =	simm.s32 $0xC;
	s20 =	simm.s32 $0x1;
	s25 =	simm.s32 $0x0  }
.Ltmp1:
0x13: {  	s23 =	simm.s32 $0x0;
	s22 =	simm.s32 $0x0;
	(pc) =	sbr.rel .LBB2_3-.Ltmp1, $4  }
0x14: {  	[tilespmem:s4+$0x0] =	vst v0;
	v0 =	vimm.s32 $0xFFFFFFFF;
	[sflag:s26] =	ssyncpa.u1 $0x0;
	s9 =	sshll.u32 s28, $0x8;
	[dreg:$0x7] =	wrdreg s0  }
0x15: {  	s10 =	sshll.u32 s28, $0x7;
	[dreg:$0x9] =	wrdreg s31;
	[tilespmem:$0x8108] =	vst v0;
	[sflag:s5] =	ssyncpa.u1 $0x0  }
0x16: {  	s12 =	sadd.s32 $0x100, s9;
	[dreg:$0x6] =	wrdreg s9;
	[sflag:s29] =	ssyncpa.u1 $0x0  }
0x17: {  	v0 =	vlaneseq.u32;
	s24 =	smov.u32 s9;
	[dreg:$0x8] =	wrdreg s10;
	[sflag:s30] =	ssyncpa.u1 $0x0  }
.LBB2_4:
0x18: {  	p0 =	sgt.s32 s24, $0xF00;
	s0 =	smov.u32 s24;
	s2 =	sshra.s32 s24, $0x1F  }
0x19: {  	s0 =	simm.s32 @!p0 $0xF00;
	s2 =	sand.u32 s2, s24  }
0x1a: {  	s0 =	ssub.s32 s0, s2  }
0x1b: {  	s0 =	sadd.s32 $0xFFFFF100, s0  }
0x1c: {  	s29 =	sshll.u32 s0, $0x2  }
0x1d: {  	s30 =	sshrl.u32 s24, $0x3;
	s3 =	rddreg [dreg:$0x9];
	s2 =	ssub.s32 $0x400, s29  }
0x1e: {  	s31 =	sand.u32 $0x7, s24;
	p0 =	sgt.s32 s0, $0xFF;
	s0 =	sshrl.u32 s2, $0x2  }
0x1f: {  	s4 =	simm.s32 $0x8948;
	s2 =	sadd.s32 s30, s3;
	s0 =	simm.s32 @p0 $0x0  }
0x20: {  	[tilespmem:s4], [sflag:$0xA] =	stream.linear.gather [hbm4b:s2+s31], s0, $0x38;
	[tilespmem:$0x18E48] =	vst v63  }
.LBB2_27:
0x21: {  	s0 =	sadd.s32 $0x100, s24  }
0x22: {  	s2 =	smov.u32 s9;
	s22 =	sadd.s32 $0x1, s22;
	p0 =	slt.s32 s0, s12  }
0x23: {  	s2 =	smov.u32 @p0 s0;
	p0 =	sne.s32 s22, $0x3  }
.Ltmp2:
0x24: {  	_ = 	snop;
	(pc) =	sbr.rel @!p0 .LBB2_28-.Ltmp2, $3  }
0x25: {  	_ =	sdelay $0x1  }
0x26: {  	s25 =	smov.u32 s23  }
0x27: {  	s23 =	smov.u32 s24;
	s17 =	sadd.s32 $0x100, s17;
	s24 =	smov.u32 s2  }
.LBB2_3:
0x28: {  	p0 =	sne.s32 s22, $0x0  }
.Ltmp3:
0x29: {  	_ = 	snop;
	(pc) =	sbr.rel @!p0 .LBB2_4-.Ltmp3, $1  }
0x2a: {  	_ =	sdelay $0x3  }
0x2b: {  	s0 =	sand.u32 $0x1, s22  }
0x2c: {  	p0 =	seq.s32 s0, $0x0  }
.Ltmp4:
0x2d: {  	_ = 	snop;
	(pc) =	sbr.rel @p0 .LBB2_9-.Ltmp4, $1  }
0x2e: {  	_ =	sdelay $0x3  }
0x2f: {  	p0 =	sgt.s32 s23, $0xF00;
	s0 =	smov.u32 s23;
	s2 =	sshra.s32 s23, $0x1F  }
0x30: {  	s0 =	simm.s32 @!p0 $0xF00;
	s2 =	sand.u32 s2, s23  }
0x31: {  	s0 =	ssub.s32 s0, s2  }
0x32: {  	s0 =	sadd.s32 $0xFFFFF100, s0  }
0x33: {  	s4 =	sshll.u32 s0, $0x2  }
0x34: {  	s2 =	ssub.s32 $0x400, s4  }
0x35: {  	p0 =	sgt.s32 s0, $0xFF;
	s0 =	sshrl.u32 s2, $0x2  }
0x36: {  	s4 =	simm.s32 $0xA;
	s0 =	simm.s32 @p0 $0x0  }
0x37: {  	s3 =	sshrl.u32 s23, $0x3;
	s8 =	sand.u32 $0x7, s23;
	_ =	swait.ge [sflag:s4], s0  }
0x38: {  	s5 =	ssub.s32 $0x0, s0;
	[sflag:s4] =	ssyncset.done $0x0;
	s7 =	rddreg [dreg:$0x7]  }
0x39: {  	s9 =	simm.s32 $0x8C48;
	[sflag:s4] =	ssyncadd.s32 s5;
	s2 =	sadd.s32 s3, s7  }
0x3a: {  	[tilespmem:s9], [sflag:$0xB] =	stream.linear.gather [hbm4b:s2+s8], s0, $0x38;
	[tilespmem:$0x18E48] =	vst v63  }
0x3b: {  	v1 =	vld.msk [tilespmem:s17+$0x0], $0xffff;
	_ =	sdelay $0x4  }
0x3c: {  	v1 =	vshll.u32 v1, $0x4  }
0x3d: {  	(v2sf) =	vpush v1, $0x0  }
0x3e: {  	(v2sf) =	vpush v1, $0x1  }
0x3f: {  	(v2sf) =	vpush v1, $0x2;
	_ =	sdelay $0x1  }
0x40: {  	(v2sf) =	vpush v1, $0x3;
	_ =	sdelay $0x1  }
0x41: {  	(v2sf) =	vpush v1, $0x4;
	_ =	sdelay $0x1  }
0x42: {  	(v2sf) =	vpush v1, $0x5;
	_ =	sdelay $0x1  }
0x43: {  	(v2sf) =	vpush v1, $0x6  }
0x44: {  	s18 =	simm.s32 $0x91C8  }
0x45: {  	s21 =	simm.s32 $0x9248;
	s26 =	simm.s32 $0x8FC8;
	s28 =	simm.s32 $0x9048;
	(v2sf) =	vpush v1, $0x7  }
0x46: {  	s29 =	simm.s32 $0x90C8;
	s30 =	simm.s32 $0x8EC8;
	s31 =	simm.s32 $0x8F48  }
0x47: {  	s15 =	simm.s32 $0x8E48;
	s4 =	simm.s32 $0x92C8;
	s3 =	simm.s32 $0x9348;
	(v2sf) =	vpush v1, $0x8  }
0x48: {  	s5 =	simm.s32 $0x9148;
	s0 =	simm.s32 $0x9448;
	s13 =	spop (v2sf)  }
0x49: {  	s2 =	simm.s32 $0x93C8;
	(v2sf) =	vpush v1, $0x9;
	s13 =	sand.u32 $0x1FFFFFF0, s13;
	s7 =	spop (v2sf)  }
0x4a: {  	(v2sf) =	vpush v1, $0xA;
	s13 =	sadd.s32 s6, s13;
	s7 =	sand.u32 $0x1FFFFFF0, s7;
	s8 =	spop (v2sf)  }
0x4b: {  	[tilespmem:s15], [sflag:$0x9] =	stream.linear.gather [hbm4b:s13+s16], $0x40, $0x38;
	[tilespmem:$0x18E48] =	vst v63  }
0x4c: {  	(v2sf) =	vpush v1, $0xB;
	s7 =	sadd.s32 s6, s7;
	s8 =	sand.u32 $0x1FFFFFF0, s8;
	s10 =	spop (v2sf)  }
0x4d: {  	[tilespmem:s30], [sflag:$0x9] =	stream.linear.gather [hbm4b:s7+s16], $0x40, $0x38;
	[tilespmem:$0x18E48] =	vst v63  }
0x4e: {  	(v2sf) =	vpush v1, $0xC;
	s11 =	sadd.s32 s6, s8;
	s13 =	sand.u32 $0x1FFFFFF0, s10;
	s14 =	spop (v2sf)  }
0x4f: {  	[tilespmem:s31], [sflag:$0x9] =	stream.linear.gather [hbm4b:s11+s16], $0x40, $0x38;
	[tilespmem:$0x18E48] =	vst v63  }
0x50: {  	s15 =	sadd.s32 s6, s13;
	s19 =	sand.u32 $0x1FFFFFF0, s14;
	s31 =	spop (v2sf)  }
0x51: {  	[tilespmem:s26], [sflag:$0x9] =	stream.linear.gather [hbm4b:s15+s16], $0x40, $0x38;
	[tilespmem:$0x18E48] =	vst v63  }
0x52: {  	(v2sf) =	vpush v1, $0xD;
	s8 =	sadd.s32 s6, s19;
	s9 =	sand.u32 $0x1FFFFFF0, s31;
	s10 =	spop (v2sf)  }
0x53: {  	[tilespmem:s28], [sflag:$0x9] =	stream.linear.gather [hbm4b:s8+s16], $0x40, $0x38;
	[tilespmem:$0x18E48] =	vst v63  }
0x54: {  	(v2sf) =	vpush v1, $0xE;
	s11 =	sadd.s32 s6, s9;
	s14 =	sand.u32 $0x1FFFFFF0, s10;
	s15 =	spop (v2sf)  }
0x55: {  	[tilespmem:s29], [sflag:$0x9] =	stream.linear.gather [hbm4b:s11+s16], $0x40, $0x38;
	[tilespmem:$0x18E48] =	vst v63  }
0x56: {  	(v2sf) =	vpush v1, $0xF;
	s19 =	sadd.s32 s6, s14;
	s26 =	sand.u32 $0x1FFFFFF0, s15;
	s31 =	spop (v2sf)  }
0x57: {  	[tilespmem:s5], [sflag:$0x9] =	stream.linear.gather [hbm4b:s19+s16], $0x40, $0x38;
	[tilespmem:$0x18E48] =	vst v63  }
0x58: {  	s30 =	sadd.s32 $0x10, s17;
	s8 =	sadd.s32 s6, s26;
	s10 =	spop (v2sf)  }
0x59: {  	s9 =	sand.u32 $0x1FFFFFF0, s31;
	s28 =	simm.s32 $0x95C8;
	s14 =	spop (v2sf)  }
0x5a: {  	[tilespmem:s18], [sflag:$0x9] =	stream.linear.gather [hbm4b:s8+s16], $0x40, $0x38;
	[tilespmem:$0x18E48] =	vst v63  }
0x5b: {  	s11 =	sadd.s32 s6, s9;
	s13 =	sand.u32 $0x1FFFFFF0, s10;
	s19 =	spop (v2sf)  }
0x5c: {  	[tilespmem:s21], [sflag:$0x9] =	stream.linear.gather [hbm4b:s11+s16], $0x40, $0x38;
	[tilespmem:$0x18E48] =	vst v63  }
0x5d: {  	s15 =	sadd.s32 s6, s13;
	s18 =	sand.u32 $0x1FFFFFF0, s14;
	s31 =	spop (v2sf)  }
0x5e: {  	[tilespmem:s4], [sflag:$0x9] =	stream.linear.gather [hbm4b:s15+s16], $0x40, $0x38;
	[tilespmem:$0x18E48] =	vst v63  }
0x5f: {  	s26 =	sand.u32 $0x1FFFFFF0, s19;
	s21 =	sadd.s32 s6, s18;
	s9 =	sand.u32 $0x1FFFFFF0, s31  }
0x60: {  	[tilespmem:s3], [sflag:$0x9] =	stream.linear.gather [hbm4b:s21+s16], $0x40, $0x38;
	[tilespmem:$0x18E48] =	vst v63  }
0x61: {  	s8 =	sadd.s32 s6, s26;
	s10 =	spop (v2sf);
	s11 =	sadd.s32 s6, s9  }
0x62: {  	[tilespmem:s2], [sflag:$0x9] =	stream.linear.gather [hbm4b:s8+s16], $0x40, $0x38;
	[tilespmem:$0x18E48] =	vst v63  }
0x63: {  	s13 =	sand.u32 $0x1FFFFFF0, s10;
	s15 =	simm.s32 $0x94C8;
	s14 =	spop (v2sf)  }
0x64: {  	[tilespmem:s0], [sflag:$0x9] =	stream.linear.gather [hbm4b:s11+s16], $0x40, $0x38;
	[tilespmem:$0x18E48] =	vst v63  }
0x65: {  	s18 =	sadd.s32 s6, s13;
	s19 =	sand.u32 $0x1FFFFFF0, s14;
	s21 =	spop (v2sf)  }
0x66: {  	[tilespmem:s15], [sflag:$0x9] =	stream.linear.gather [hbm4b:s18+s16], $0x40, $0x38;
	[tilespmem:$0x18E48] =	vst v63  }
0x67: {  	s31 =	simm.s32 $0x9548;
	s26 =	sadd.s32 s6, s19;
	s0 =	sand.u32 $0x1FFFFFF0, s21  }
0x68: {  	[tilespmem:s31], [sflag:$0x9] =	stream.linear.gather [hbm4b:s26+s16], $0x40, $0x38;
	[tilespmem:$0x18E48] =	vst v63  }
0x69: {  	s29 =	simm.s32 $0x9DC8;
	s0 =	sadd.s32 s6, s0;
	s26 =	simm.s32 $0x0  }
.LBB2_7:
0x6a: {  	[tilespmem:s28], [sflag:$0x9] =	stream.linear.gather [hbm4b:s0+s16], $0x40, $0x38;
	[tilespmem:$0x18E48] =	vst v63  }
0x6b: {  	s26 =	sadd.s32 $0x10, s26;
	s28 =	smov.u32 s29  }
0x6c: {  	p0 =	slt.u32 s26, $0xF0;
	v1 =	vld.msk [tilespmem:s30+$0x0], $0xffff;
	_ =	sdelay $0x4  }
0x6d: {  	v1 =	vshll.u32 v1, $0x4  }
0x6e: {  	(v2sf) =	vpush v1, $0x0  }
0x6f: {  	(v2sf) =	vpush v1, $0x1  }
0x70: {  	(v2sf) =	vpush v1, $0x2;
	_ =	sdelay $0x1  }
0x71: {  	(v2sf) =	vpush v1, $0x3;
	_ =	sdelay $0x1  }
0x72: {  	(v2sf) =	vpush v1, $0x4;
	_ =	sdelay $0x1  }
0x73: {  	(v2sf) =	vpush v1, $0x5;
	_ =	sdelay $0x1  }
0x74: {  	(v2sf) =	vpush v1, $0x6  }
0x75: {  	s0 =	sadd.s32 $0xFFFFFE80, s29;
	s31 =	sadd.s32 $0xFFFFFF00, s29  }
0x76: {  	s3 =	sadd.s32 $0xFFFFFD00, s29;
	s5 =	sadd.s32 $0xFFFFFD80, s29;
	s4 =	sadd.s32 $0xFFFFFE00, s29;
	(v2sf) =	vpush v1, $0x7  }
0x77: {  	s18 =	sadd.s32 $0xFFFFFB80, s29;
	s21 =	sadd.s32 $0xFFFFFC00, s29;
	s2 =	sadd.s32 $0xFFFFFC80, s29  }
0x78: {  	s7 =	sadd.s32 $0xFFFFFA00, s29;
	s8 =	sadd.s32 $0xFFFFFA80, s29;
	s13 =	sadd.s32 $0xFFFFFB00, s29;
	(v2sf) =	vpush v1, $0x8  }
0x79: {  	s15 =	sadd.s32 $0xFFFFF900, s29;
	s9 =	sadd.s32 $0xFFFFF980, s29;
	s11 =	spop (v2sf)  }
0x7a: {  	s19 =	sadd.s32 $0xFFFFF880, s29;
	s11 =	sand.u32 $0x1FFFFFF0, s11;
	s10 =	spop (v2sf);
	(v2sf) =	vpush v1, $0x9  }
0x7b: {  	s11 =	sadd.s32 s6, s11;
	s10 =	sand.u32 $0x1FFFFFF0, s10;
	s14 =	spop (v2sf)  }
0x7c: {  	[tilespmem:s19], [sflag:$0x9] =	stream.linear.gather [hbm4b:s11+s16], $0x40, $0x38;
	(v2sf) =	vpush v1, $0xA;
	[tilespmem:$0x18E48] =	vst v63  }
0x7d: {  	s10 =	sadd.s32 s6, s10;
	s11 =	sand.u32 $0x1FFFFFF0, s14;
	s14 =	spop (v2sf)  }
0x7e: {  	[tilespmem:s15], [sflag:$0x9] =	stream.linear.gather [hbm4b:s10+s16], $0x40, $0x38;
	(v2sf) =	vpush v1, $0xB;
	[tilespmem:$0x18E48] =	vst v63  }
0x7f: {  	s10 =	sadd.s32 s6, s11;
	s11 =	sand.u32 $0x1FFFFFF0, s14;
	s14 =	spop (v2sf)  }
0x80: {  	[tilespmem:s9], [sflag:$0x9] =	stream.linear.gather [hbm4b:s10+s16], $0x40, $0x38;
	(v2sf) =	vpush v1, $0xC;
	[tilespmem:$0x18E48] =	vst v63  }
0x81: {  	s9 =	sadd.s32 s6, s11;
	s10 =	sand.u32 $0x1FFFFFF0, s14;
	s11 =	spop (v2sf)  }
0x82: {  	[tilespmem:s7], [sflag:$0x9] =	stream.linear.gather [hbm4b:s9+s16], $0x40, $0x38;
	(v2sf) =	vpush v1, $0xD;
	[tilespmem:$0x18E48] =	vst v63  }
0x83: {  	s7 =	sadd.s32 s6, s10;
	s9 =	sand.u32 $0x1FFFFFF0, s11;
	s10 =	spop (v2sf)  }
0x84: {  	[tilespmem:s8], [sflag:$0x9] =	stream.linear.gather [hbm4b:s7+s16], $0x40, $0x38;
	(v2sf) =	vpush v1, $0xE;
	[tilespmem:$0x18E48] =	vst v63  }
0x85: {  	s7 =	sadd.s32 s6, s9;
	s8 =	sand.u32 $0x1FFFFFF0, s10;
	s9 =	spop (v2sf)  }
0x86: {  	[tilespmem:s13], [sflag:$0x9] =	stream.linear.gather [hbm4b:s7+s16], $0x40, $0x38;
	(v2sf) =	vpush v1, $0xF;
	[tilespmem:$0x18E48] =	vst v63  }
0x87: {  	s7 =	sadd.s32 s6, s8;
	s8 =	sand.u32 $0x1FFFFFF0, s9;
	s9 =	spop (v2sf)  }
0x88: {  	[tilespmem:s18], [sflag:$0x9] =	stream.linear.gather [hbm4b:s7+s16], $0x40, $0x38;
	[tilespmem:$0x18E48] =	vst v63  }
0x89: {  	s7 =	sadd.s32 s6, s8;
	s8 =	sand.u32 $0x1FFFFFF0, s9;
	s9 =	spop (v2sf)  }
0x8a: {  	[tilespmem:s21], [sflag:$0x9] =	stream.linear.gather [hbm4b:s7+s16], $0x40, $0x38;
	[tilespmem:$0x18E48] =	vst v63  }
0x8b: {  	s7 =	sadd.s32 s6, s8;
	s8 =	sand.u32 $0x1FFFFFF0, s9;
	s9 =	spop (v2sf)  }
0x8c: {  	[tilespmem:s2], [sflag:$0x9] =	stream.linear.gather [hbm4b:s7+s16], $0x40, $0x38;
	[tilespmem:$0x18E48] =	vst v63  }
0x8d: {  	s2 =	sadd.s32 s6, s8;
	s7 =	sand.u32 $0x1FFFFFF0, s9;
	s8 =	spop (v2sf)  }
0x8e: {  	[tilespmem:s3], [sflag:$0x9] =	stream.linear.gather [hbm4b:s2+s16], $0x40, $0x38;
	[tilespmem:$0x18E48] =	vst v63  }
0x8f: {  	s2 =	sadd.s32 s6, s7;
	s3 =	sand.u32 $0x1FFFFFF0, s8;
	s7 =	spop (v2sf)  }
0x90: {  	[tilespmem:s5], [sflag:$0x9] =	stream.linear.gather [hbm4b:s2+s16], $0x40, $0x38;
	[tilespmem:$0x18E48] =	vst v63  }
0x91: {  	s2 =	sadd.s32 s6, s3;
	s3 =	sand.u32 $0x1FFFFFF0, s7;
	s5 =	spop (v2sf)  }
0x92: {  	[tilespmem:s4], [sflag:$0x9] =	stream.linear.gather [hbm4b:s2+s16], $0x40, $0x38;
	[tilespmem:$0x18E48] =	vst v63  }
0x93: {  	s2 =	sadd.s32 s6, s3;
	s3 =	sand.u32 $0x1FFFFFF0, s5;
	s4 =	spop (v2sf)  }
0x94: {  	[tilespmem:s0], [sflag:$0x9] =	stream.linear.gather [hbm4b:s2+s16], $0x40, $0x38;
	[tilespmem:$0x18E48] =	vst v63  }
0x95: {  	s0 =	sadd.s32 s6, s3  }
.Ltmp5:
0x96: {  	s2 =	sand.u32 $0x1FFFFFF0, s4;
	s3 =	spop (v2sf);
	(pc) =	sbr.rel @p0 .LBB2_7-.Ltmp5, $4  }
0x97: {  	[tilespmem:s31], [sflag:$0x9] =	stream.linear.gather [hbm4b:s0+s16], $0x40, $0x38;
	[tilespmem:$0x18E48] =	vst v63  }
0x98: {  	s0 =	sadd.s32 s6, s2;
	s2 =	sadd.s32 $0xFFFFFF80, s29;
	s3 =	sand.u32 $0x1FFFFFF0, s3  }
0x99: {  	[tilespmem:s2], [sflag:$0x9] =	stream.linear.gather [hbm4b:s0+s16], $0x40, $0x38;
	[tilespmem:$0x18E48] =	vst v63  }
0x9a: {  	s30 =	sadd.s32 $0x10, s30;
	s29 =	sadd.s32 $0x800, s29;
	s0 =	sadd.s32 s6, s3  }
0x9b: {  	[tilespmem:s28], [sflag:$0x9] =	stream.linear.gather [hbm4b:s0+s16], $0x40, $0x38;
	[tilespmem:$0x18E48] =	vst v63  }
0x9c: {  	s9 =	rddreg [dreg:$0x6]  }
0x9d: {  	s10 =	rddreg [dreg:$0x8];
	s11 =	simm.s32 $0xC  }
.LBB2_9:
0x9e: {  	p0 =	sne.s32 s22, $0x2  }
.Ltmp6:
0x9f: {  	_ = 	snop;
	(pc) =	sbr.rel @p0 .LBB2_27-.Ltmp6, $1  }
0xa0: {  	_ =	sdelay $0x3  }
0xa1: {  	p0 =	sgt.s32 s25, $0xF00;
	s0 =	smov.u32 s25;
	s2 =	sshra.s32 s25, $0x1F  }
0xa2: {  	s0 =	simm.s32 @!p0 $0xF00;
	s2 =	sand.u32 s2, s25  }
0xa3: {  	s0 =	ssub.s32 s0, s2  }
0xa4: {  	s0 =	sadd.s32 $0xFFFFF100, s0  }
0xa5: {  	s3 =	simm.s32 $0x9;
	s30 =	sshll.u32 s0, $0x2  }
0xa6: {  	_ =	swait.ge [sflag:s3], $0x4000;
	s2 =	ssub.s32 $0x400, s30  }
0xa7: {  	[sflag:s3] =	ssyncset.done $0x0;
	p0 =	sgt.s32 s0, $0xFF;
	s0 =	sshrl.u32 s2, $0x2  }
0xa8: {  	s31 =	simm.s32 $0xB;
	[sflag:s3] =	ssyncadd.s32 $0xFFFFC000;
	s0 =	simm.s32 @p0 $0x0  }
0xa9: {  	_ =	swait.ge [sflag:s31], s0  }
0xaa: {  	s0 =	ssub.s32 $0x0, s0;
	[sflag:s31] =	ssyncset.done $0x0  }
0xab: {  	[sflag:s31] =	ssyncadd.s32 s0  }
0xac: {  	v1 =	vld [tilespmem:$0x8108];
	_ =	sdelay $0x4  }
0xad: {  	(v2sf) =	vpush v1, $0x0  }
0xae: {  	(v2sf) =	vpush v1, $0x1  }
0xaf: {  	(v2sf) =	vpush v1, $0x2;
	_ =	sdelay $0x3  }
0xb0: {  	s0 =	sadd.s32 $0x100, s25  }
0xb1: {  	s2 =	ssub.s32 $0x2000, s25;
	p0 =	slt.s32 s12, s0  }
0xb2: {  	s0 =	smov.u32 @p0 s12;
	p0 =	sgt.s32 s2, $0x0  }
0xb3: {  	s26 =	ssub.s32 s0, s25;
	s2 =	simm.s32 @!p0 $0x0  }
0xb4: {  	p0 =	slt.s32 s2, s26  }
0xb5: {  	s26 =	smov.u32 @p0 s2  }
0xb6: {  	p0 =	slt.s32 s26, $0x1  }
.Ltmp7:
0xb7: {  	_ = 	snop;
	(pc) =	sbr.rel @p0 .LBB2_14-.Ltmp7, $4  }
0xb8: {  	_ = 	snop  }
0xb9: {  	s0 =	spop (v2sf)  }
0xba: {  	s2 =	spop (v2sf)  }
0xbb: {  	s25 =	spop (v2sf)  }
0xbc: {  	s3 =	smin.u32 s26, $0x10  }
0xbd: {  	v1 =	vmov s3  }
0xbe: {  	p1 =	sgt.s32 s26, $0x10;
	vm1 =	vgt.u32 v1, v0  }
.Ltmp8:
0xbf: {  	_ = 	snop;
	(pc) =	sbr.rel @!p1 .LBB2_13-.Ltmp8, $2  }
0xc0: {  	_ =	sdelay $0x2  }
0xc1: {  	s4 =	simm.s32 $0x10;
	s5 =	sadd.s32 $0xFFFFFFF0, s26;
	s3 =	simm.s32 $0x8C48;
	vm0 =	vmmov vm1  }
.LBB2_12:
0xc2: {  	s7 =	smin.u32 s5, $0x10;
	s4 =	sadd.s32 $0x10, s4;
	v1 =	vld.msk [tilespmem:s3+$0x0 ss:$0x1], vm1  }
0xc3: {  	v2 =	vmov s7;
	p1 =	slt.s32 s4, s26  }
0xc4: {  	vm1 =	vgt.u32 v2, v0  }
.Ltmp9:
0xc5: {  	(pc) =	sbr.rel @p1 .LBB2_12-.Ltmp9, $3  }
0xc6: {  	_ =	sdelay $0x1  }
0xc7: {  	v1 =	vshll.u32 v1, $0x4  }
0xc8: {  	s5 =	sadd.s32 $0xFFFFFFF0, s5;
	[tilespmem:s3+$0x0] =	vst.msk vm0, v1;
	s3 =	sadd.s32 $0x10, s3;
	vm0 =	vmmov vm1  }
.LBB2_13:
0xc9: {  	_ =	sdelay $0x4  }
0xca: {  	v1 =	vld.msk [tilespmem:s3+$0x0 ss:$0x1], vm1;
	_ =	sdelay $0x4  }
0xcb: {  	v1 =	vshll.u32 v1, $0x4  }
0xcc: {  	[tilespmem:s3+$0x0] =	vst.msk vm0, v1  }
.LBB2_14:
0xcd: {  	p1 =	sne.s32 s2, $0xFFFFFFFF  }
0xce: {  	v1 =	vld.msk @!p1 [tilespmem:$0x8C48], $0x1;
	_ =	sdelay $0x4  }
0xcf: {  	(v2sf) =	vpush @!p1 v1, $0x0;
	_ =	sdelay $0xc  }
.Ltmp10:
0xd0: {  	_ = 	snop;
	(pc) =	sbr.rel @p0 .LBB2_25-.Ltmp10, $4  }
0xd1: {  	_ = 	snop  }
0xd2: {  	s31 =	spop @!p1 (v2sf)  }
0xd3: {  	s25 =	simm.s32 @!p1 $0x0;
	s28 =	smov.u32 s31  }
0xd4: {  	[sflag:s11] =	ssyncpa.u1 $0x0;
	s31 =	smov.u32 @p1 s0;
	s28 =	smov.u32 @p1 s2  }
0xd5: {  	s29 =	simm.s32 $0x8C48  }
0xd6: {  	v1 =	vld.msk [tilespmem:s29+$0x0], $0x1;
	_ =	sdelay $0x4  }
0xd7: {  	(v2sf) =	vpush v1, $0x0;
	_ =	sdelay $0xe  }
0xd8: {  	s3 =	spop (v2sf)  }
0xd9: {  	p0 =	seq.s32 s31, s3  }
0xda: {  	p1 =	sgt.s32 @!p0 s31, $0x0  }
0xdb: {  	s2 =	smov.u32 s31;
	s0 =	sadd.s32 $0xFFFFFFFF, s26;
	p1 =	por !p1, p0  }
0xdc: {  	s2 =	simm.s32 @p1 $0x0;
	p1 =	sne.s32 s0, $0x0  }
.Ltmp11:
0xdd: {  	_ = 	snop;
	(pc) =	sbr.rel @!p1 .LBB2_17-.Ltmp11, $4  }
0xde: {  	_ = 	snop  }
0xdf: {  	s30 =	simm.s32 $0x0;
	s4 =	simm.s32 @!p0 $0x1;
	s2 =	smin.u32 @!p0 s2, $0x678  }
0xe0: {  	s5 =	simm.s32 @!p0 $0x40C8;
	s4 =	smov.u32 @p0 s30;
	s7 =	sand.u32 @!p0 $0x7F8, s2  }
0xe1: {  	s18 =	sand.u32 @!p0 $0x7, s2;
	s2 =	simm.s32 $0x8C49;
	s21 =	sadd.s32 @!p0 s1, s7  }
.LBB2_16:
0xe2: {  	s7 =	smov.u32 s4  }
0xe3: {  	[tilespmem:s5], [sflag:$0x2] =	stream.linear.gather @!p0 [hbm4b:s21+s18], $0x40, $0x38;
	[tilespmem:$0x18E48] =	vst v63  }
0xe4: {  	s0 =	sadd.s32 $0xFFFFFFFF, s0;
	s8 =	smov.u32 s3;
	v1 =	vld.msk [tilespmem:s2+$0x0], $0x1  }
0xe5: {  	p1 =	sne.s32 s0, $0x0;
	_ =	sdelay $0x3  }
0xe6: {  	(v2sf) =	vpush v1, $0x0;
	_ =	sdelay $0xe  }
0xe7: {  	s3 =	spop (v2sf)  }
0xe8: {  	p0 =	seq.s32 s8, s3  }
0xe9: {  	p2 =	sgt.s32 @!p0 s8, $0x0;
	s5 =	sshll.u32 @!p0 s4, $0x8;
	s4 =	sadd.s32 @!p0 $0x1, s4  }
.Ltmp12:
0xea: {  	p2 =	por !p2, p0;
	s5 =	sshra.s32 @!p0 s5, $0x2;
	(pc) =	sbr.rel @p1 .LBB2_16-.Ltmp12, $4  }
0xeb: {  	s4 =	smov.u32 @p0 s7;
	s8 =	simm.s32 @p2 $0x0;
	s5 =	sadd.s32 @!p0 $0x40C8, s5  }
0xec: {  	s7 =	smin.u32 @!p0 s8, $0x678  }
0xed: {  	s8 =	sand.u32 @!p0 $0x7F8, s7;
	s18 =	sand.u32 @!p0 $0x7, s7  }
0xee: {  	s2 =	sadd.s32 $0x1, s2;
	s21 =	sadd.s32 @!p0 s1, s8  }
.LBB2_17:
0xef: {  	[tilespmem:s5], [sflag:$0x2] =	stream.linear.gather @!p0 [hbm4b:s21+s18], $0x40, $0x38;
	[tilespmem:$0x18E48] =	vst v63  }
.Ltmp13:
0xf0: {  	s0 =	sshll.u32 s4, $0x6;
	(pc) =	sbr.rel .LBB2_18-.Ltmp13, $4  }
0xf1: {  	s2 =	simm.s32 $0x2;
	s0 =	sand.u32 $0x3FFFFFC0, s0  }
0xf2: {  	_ =	swait.ge [sflag:s2], s0  }
0xf3: {  	s0 =	ssub.s32 $0x0, s0;
	[sflag:s2] =	ssyncset.done $0x0  }
0xf4: {  	s4 =	simm.s32 $0x8E68;
	s3 =	simm.s32 $0x0;
	[sflag:s2] =	ssyncadd.s32 s0  }
.LBB2_19:
0xf5: {  	v1 =	vld [tilespmem:s4+$0xFFFFFFE0];
	_ =	sdelay $0x4  }
0xf6: {  	[tilespmem:s2+$0x88] =	vst.add.f32.msk $0xffff, v1  }
0xf7: {  	v1 =	vld [tilespmem:s4+$0xFFFFFFF0];
	_ =	sdelay $0x4  }
0xf8: {  	[tilespmem:s2+$0x98] =	vst.add.f32.msk $0xffff, v1  }
0xf9: {  	v1 =	vld [tilespmem:s4+$0x0];
	_ =	sdelay $0x4  }
0xfa: {  	[tilespmem:s2+$0xA8] =	vst.add.f32.msk $0xffff, v1  }
0xfb: {  	v1 =	vld [tilespmem:s4+$0x10];
	_ =	sdelay $0x4  }
0xfc: {  	[tilespmem:s2+$0xB8] =	vst.add.f32.msk $0xffff, v1  }
.LBB2_23:
0xfd: {  	s26 =	sadd.s32 $0xFFFFFFFF, s26  }
0xfe: {  	p0 =	sne.s32 s26, $0x0  }
.Ltmp14:
0xff: {  	_ = 	snop;
	(pc) =	sbr.rel @!p0 .LBB2_24-.Ltmp14, $2  }
0x100: {  	_ =	sdelay $0x2  }
0x101: {  	s4 =	sadd.s32 $0x80, s4;
	s29 =	sadd.s32 $0x1, s29;
	s31 =	smov.u32 s0  }
.LBB2_18:
0x102: {  	v1 =	vld.msk [tilespmem:s29+$0x0], $0x1;
	_ =	sdelay $0x4  }
0x103: {  	(v2sf) =	vpush v1, $0x0;
	_ =	sdelay $0xe  }
0x104: {  	s0 =	spop (v2sf)  }
0x105: {  	p0 =	sne.s32 s31, s0  }
.Ltmp15:
0x106: {  	_ = 	snop;
	(pc) =	sbr.rel @!p0 .LBB2_19-.Ltmp15, $3  }
0x107: {  	_ =	sdelay $0x1  }
0x108: {  	s2 =	sshll.u32 s25, $0x8  }
0x109: {  	s2 =	sshra.s32 s2, $0x2  }
0x10a: {  	p0 =	seq.s32 s31, s28  }
.Ltmp16:
0x10b: {  	_ = 	snop;
	(pc) =	sbr.rel @!p0 .LBB2_21-.Ltmp16, $1  }
0x10c: {  	_ =	sdelay $0x3  }
.Ltmp17:
0x10d: {  	s2 =	sadd.s32 $0x88, s2;
	(pc) =	sbr.rel .LBB2_22-.Ltmp17, $4  }
0x10e: {  	[spmem:s10] =	stream.linear.scatter [tilespmem:s2], [sflag:$0x1], $0x40, $0x38;
	[tilespmem:$0x18E48] =	vst v63  }
0x10f: {  	_ =	swait.ge [sflag:s20], $0x40  }
0x110: {  	[sflag:s20] =	ssyncset.done $0x0  }
0x111: {  	[sflag:s20] =	ssyncadd.s32 $0xFFFFFFC0  }
.LBB2_21:
0x112: {  	s5 =	sshll.u32 s30, $0x8  }
0x113: {  	s5 =	sshra.s32 s5, $0x2  }
0x114: {  	v1 =	vld [tilespmem:s5+$0x40C8];
	_ =	sdelay $0x4  }
0x115: {  	[tilespmem:s2+$0x88] =	vst.add.f32.msk $0xffff, v1  }
0x116: {  	v1 =	vld [tilespmem:s5+$0x40D8];
	_ =	sdelay $0x4  }
0x117: {  	[tilespmem:s2+$0x98] =	vst.add.f32.msk $0xffff, v1  }
0x118: {  	v1 =	vld [tilespmem:s5+$0x40E8];
	_ =	sdelay $0x4  }
0x119: {  	[tilespmem:s2+$0xA8] =	vst.add.f32.msk $0xffff, v1  }
0x11a: {  	v1 =	vld [tilespmem:s5+$0x40F8];
	_ =	sdelay $0x2  }
0x11b: {  	p0 =	sgt.u32 s31, $0x678  }
0x11c: {  	s5 =	sand.u32 @!p0 $0x7F8, s31  }
0x11d: {  	s7 =	sadd.s32 $0x88, s2;
	[tilespmem:s2+$0xB8] =	vst.add.f32.msk $0xffff, v1;
	s2 =	sadd.s32 @!p0 s1, s5;
	s5 =	sand.u32 @!p0 $0x7, s31  }
0x11e: {  	[hbm4b:s2+s5] =	stream.linear.scatter @!p0 [tilespmem:s7], [sflag:$0xC], $0x40, $0x38;
	[tilespmem:$0x18E48] =	vst v63  }
0x11f: {  	s2 =	simm.s32 $0x0  }
0x120: {  	s2 =	simm.s32 @!p0 $0x100  }
0x121: {  	s3 =	sadd.s32 s2, s3  }
.LBB2_22:
0x122: {  	v1 =	vld [tilespmem:s4+$0xFFFFFFE0];
	_ =	sdelay $0x1  }
0x123: {  	s2 =	sadd.s32 $0x1, s25  }
0x124: {  	s25 =	sand.u32 $0xFF, s2  }
0x125: {  	s2 =	sshll.u32 s25, $0x6  }
0x126: {  	[tilespmem:s2+$0x88] =	vst v1  }
0x127: {  	v1 =	vld [tilespmem:s4+$0xFFFFFFF0];
	_ =	sdelay $0x4  }
0x128: {  	[tilespmem:s2+$0x98] =	vst v1  }
0x129: {  	v1 =	vld [tilespmem:s4+$0x0];
	_ =	sdelay $0x4  }
0x12a: {  	[tilespmem:s2+$0xA8] =	vst v1  }
0x12b: {  	v1 =	vld [tilespmem:s4+$0x10]  }
.Ltmp18:
0x12c: {  	_ = 	snop;
	(pc) =	sbr.rel .LBB2_23-.Ltmp18, $2  }
0x12d: {  	_ =	sdelay $0x2  }
0x12e: {  	s30 =	sadd.s32 $0x1, s30;
	[tilespmem:s2+$0xB8] =	vst v1  }
.LBB2_24:
.Ltmp19:
0x12f: {  	(pc) =	sbr.rel .LBB2_26-.Ltmp19, $2  }
0x130: {  	_ =	sdelay $0x2  }
0x131: {  	s2 =	sshrl.u32 s3, $0x2  }
.LBB2_25:
0x132: {  	s0 =	simm.s32 $0x2  }
0x133: {  	_ =	swait.ge [sflag:s0], $0x0  }
0x134: {  	s2 =	simm.s32 $0x0;
	[sflag:s0] =	ssyncset.done $0x0;
	s0 =	smov.u32 s31  }
.LBB2_26:
.Ltmp20:
0x135: {  	_ =	swait.ge [sflag:s11], s2;
	(pc) =	sbr.rel .LBB2_27-.Ltmp20, $4  }
0x136: {  	s31 =	ssub.s32 $0x0, s2;
	v1 =	vmov s28;
	vm0 =	veq.s32 v0, $0x0;
	[sflag:s11] =	ssyncset.done $0x0  }
0x137: {  	vm15 =	veq.s32 v0, $0x2;
	v1 =	vsel vm0, s0, v1;
	[sflag:s11] =	ssyncadd.s32 s31  }
0x138: {  	v1 =	vsel vm15, s25, v1;
	[sflag:s11] =	ssyncpa.u1 $0x1  }
0x139: {  	[tilespmem:$0x8108] =	vst v1  }
.LBB2_28:
0x13a: {  	_ =	sfence.sel $0x180000  }
0x13b: {  	s0 =	simm.s32 $0x9;
	[bflag:$0x0] =	sbarrier.arrive $0xFFFF  }
0x13c: {  	s24 =	simm.s32 $0xA;
	[sflag:s0] =	ssyncpa.u1 $0x1  }
0x13d: {  	s25 =	simm.s32 $0xB;
	[sflag:s24] =	ssyncpa.u1 $0x1  }
0x13e: {  	s26 =	simm.s32 $0x2;
	[sflag:s25] =	ssyncpa.u1 $0x1  }
0x13f: {  	[sflag:s26] =	ssyncpa.u1 $0x1  }
0x140: {  	v0 =	vld [tilespmem:$0x8108];
	_ =	sdelay $0x4  }
0x141: {  	(v2sf) =	vpush v0, $0x0  }
0x142: {  	(v2sf) =	vpush v0, $0x1;
	_ =	sdelay $0x1  }
0x143: {  	(v2sf) =	vpush v0, $0x2;
	_ =	sdelay $0xb  }
0x144: {  	s0 =	spop (v2sf)  }
0x145: {  	s2 =	spop (v2sf)  }
0x146: {  	s3 =	smov.u32 s0;
	p0 =	sne.s32 s0, s2  }
0x147: {  	s4 =	spop (v2sf);
	s3 =	simm.s32 @!p0 $0xFFFFFFFF  }
0x148: {  	v2 =	vimm.s32 $0x1;
	v3 =	vlaneseq.u32;
	p0 =	seq.s32 s4, $0xFFFFFFFF;
	v1 =	vmov s3  }
0x149: {  	s14 =	stileid.u32;
	v0 =	vperm.xlane v0, v2;
	p1 =	sne.s32 @!p0 s0, s2;
	v1 =	vperm.xlane v1, v3  }
0x14a: {  	vm0 =	vcmask $0x3F04;
	s6 =	simm.s32 $0x8108;
	s0 =	simm.s32 @!p0 $0x1;
	p1 =	por !p1, p0  }
0x14b: {  	s3 =	sshll.u32 s14, $0x1;
	s2 =	sshll.u32 @!p0 s4, $0x8;
	s0 =	simm.s32 @p1 $0x0;
	v0 =	vsel vm0, v1, v0  }
0x14c: {  	s5 =	sor.u32 $0x800, s3;
	s2 =	sshra.s32 @!p0 s2, $0x2;
	s0 =	sor.u32 @!p0 s0, s3;
	[tilespmem:$0x8108] =	vst v0  }
0x14d: {  	[spmem:s5] =	stream.linear.scatter [tilespmem:s6], [sflag:$0x1], $0x2, $0x38;
	[tilespmem:$0x18E48] =	vst v63  }
0x14e: {  	s2 =	sadd.s32 @!p0 $0x88, s2;
	s0 =	sshll.u32 @!p0 s0, $0x6  }
0x14f: {  	[spmem:s0] =	stream.linear.scatter @!p0 [tilespmem:s2], [sflag:$0x1], $0x40, $0x38;
	[tilespmem:$0x18E48] =	vst v63  }
0x150: {  	s0 =	simm.s32 @!p0 $0x42  }
0x151: {  	s28 =	simm.s32 $0x1;
	s0 =	simm.s32 @p0 $0x2  }
0x152: {  	_ =	swait.ge [sflag:s28], s0  }
0x153: {  	s0 =	ssub.s32 $0x0, s0;
	[sflag:s28] =	ssyncset.done $0x0  }
0x154: {  	p0 =	sne.s32 s14, $0x0;
	[sflag:s28] =	ssyncadd.s32 s0  }
.Ltmp21:
0x155: {  	_ =	sfence.stream.spmem;
	(pc) =	sbr.rel @p0 .LBB2_45-.Ltmp21, $4  }
0x156: {  	s29 =	simm.s32 $0x3;
	[bflag:$0x0] =	sbarrier.arrive $0xFFFF  }
0x157: {  	s30 =	simm.s32 $0x4;
	[sflag:s29] =	ssyncpa.u1 $0x1  }
0x158: {  	s31 =	simm.s32 $0x3C;
	[sflag:s30] =	ssyncpa.u1 $0x1  }
0x159: {  	s13 =	rddreg [dreg:$0x5];
	[sflag:s31] =	ssyncpa.u1 $0x1  }
0x15a: {  	_ =	sfence.stream.spmem;
	s0 =	simm.s32 $0x5  }
0x15b: {  	s2 =	simm.s32 $0x800;
	s3 =	simm.s32 $0x8118;
	[sflag:s0] =	ssyncpa.u1 $0x0  }
0x15c: {  	[tilespmem:s3], [sflag:$0x5] =	stream.linear.gather [spmem:s2], $0x20, $0x38;
	[tilespmem:$0x18E48] =	vst v63  }
0x15d: {  	s26 =	simm.s32 $0x0;
	s28 =	simm.s32 $0x8138  }
0x15e: {  	[tilespmem:s28], [sflag:$0x5] =	stream.linear.gather [spmem:s26], $0x800, $0x38;
	[tilespmem:$0x18E48] =	vst v63  }
0x15f: {  	_ =	swait.ge [sflag:s0], $0x820  }
0x160: {  	[sflag:s0] =	ssyncset.done $0x0  }
0x161: {  	s29 =	simm.s32 $0x0;
	[sflag:s0] =	ssyncadd.s32 $0xFFFFF7E0  }
0x162: {  	v0 =	vld.msk [tilespmem:s29+$0x8118], $0x1;
	_ =	sdelay $0x1  }
0x163: {  	s30 =	simm.s32 $0x1  }
0x164: {  	v1 =	vld.msk [tilespmem:s30+$0x8118], $0x1;
	_ =	sdelay $0x1  }
0x165: {  	(v2sf) =	vpush v0, $0x0;
	_ =	sdelay $0x2  }
0x166: {  	(v2sf) =	vpush v1, $0x0;
	_ =	sdelay $0x2  }
0x167: {  	s31 =	simm.s32 $0x2  }
0x168: {  	v0 =	vld.msk [tilespmem:s31+$0x8118], $0x1;
	_ =	sdelay $0x2  }
0x169: {  	s2 =	simm.s32 $0xFFFFFFFF;
	s3 =	simm.s32 $0xFFFFFFFF;
	s0 =	simm.s32 $0xC  }
.LBB2_30:
0x16a: {  	s4 =	smov.u32 s3;
	s5 =	smov.u32 s2  }
0x16b: {  	s2 =	sshra.s32 s0, $0x2;
	p1 =	sne.s32 s0, $0x7C;
	s0 =	sadd.s32 $0x4, s0;
	(v2sf) =	vpush v0, $0x0  }
0x16c: {  	v0 =	vld.msk [tilespmem:s2+$0x8118], $0x1  }
.Ltmp22:
0x16d: {  	(pc) =	sbr.rel @p1 .LBB2_30-.Ltmp22, $4  }
0x16e: {  	s3 =	spop (v2sf)  }
0x16f: {  	p2 =	sne.s32 s5, $0xFFFFFFFF;
	s2 =	smov.u32 s3  }
0x170: {  	p3 =	seq.s32 s3, $0xFFFFFFFF;
	s2 =	smov.u32 @p2 s5  }
0x171: {  	s3 =	smov.u32 @p3 s4;
	s2 =	smov.u32 @p3 s5  }
0x172: {  	(v2sf) =	vpush v0, $0x0;
	_ =	sdelay $0x8  }
0x173: {  	s0 =	spop (v2sf)  }
0x174: {  	p1 =	sne.s32 s2, $0xFFFFFFFF;
	s4 =	smov.u32 s0  }
0x175: {  	s9 =	simm.s32 $0x6;
	p2 =	seq.s32 s0, $0xFFFFFFFF;
	s4 =	smov.u32 @p1 s2  }
0x176: {  	s6 =	simm.s32 $0x0;
	s4 =	smov.u32 @p2 s2;
	s2 =	spop (v2sf)  }
0x177: {  	s0 =	smov.u32 @p2 s3;
	p1 =	sne.s32 s4, $0xFFFFFFFF;
	s5 =	smov.u32 s2  }
.Ltmp23:
0x178: {  	p2 =	seq.s32 s2, $0xFFFFFFFF;
	s5 =	smov.u32 @p1 s4;
	(pc) =	sbr.rel .LBB2_32-.Ltmp23, $4  }
0x179: {  	s10 =	simm.s32 $0x80C8;
	s5 =	smov.u32 @p2 s4;
	s7 =	spop (v2sf)  }
0x17a: {  	s11 =	simm.s32 $0x0;
	p1 =	sne.s32 s5, $0xFFFFFFFF;
	s8 =	smov.u32 s7  }
0x17b: {  	s2 =	smov.u32 @p2 s0;
	p2 =	seq.s32 s7, $0xFFFFFFFF;
	s8 =	smov.u32 @p1 s5  }
0x17c: {  	[sflag:s9] =	ssyncpa.u1 $0x0;
	s7 =	smov.u32 @p2 s2;
	s8 =	smov.u32 @p2 s5  }
.LBB2_38:
0x17d: {  	p1 =	sgt.u32 s0, $0x678  }
0x17e: {  	p2 =	seq.s32 @!p1 s0, s8  }
0x17f: {  	p1 =	por p1, p2  }
0x180: {  	p2 =	sne.s32 @!p1 s0, s7  }
0x181: {  	p1 =	por p1, !p2  }
0x182: {  	s0 =	sshll.u32 @p1 s11, $0x8  }
0x183: {  	s2 =	sand.u32 @!p1 $0x7F8, s0  }
0x184: {  	s0 =	sand.u32 @!p1 $0x7, s0;
	s2 =	sadd.s32 @!p1 s1, s2  }
0x185: {  	[tilespmem:s10], [sflag:$0x6] =	stream.linear.gather @!p1 [hbm4b:s2+s0], $0x40, $0x38;
	[tilespmem:$0x18E48] =	vst v63  }
0x186: {  	_ =	swait.ge @!p1 [sflag:s9], $0x40  }
0x187: {  	[sflag:s9] =	ssyncset.done @!p1 $0x0  }
0x188: {  	[sflag:s9] =	ssyncadd.s32 @!p1 $0xFFFFFFC0  }
0x189: {  	v1 =	vld @!p1 [tilespmem:$0x80C8];
	_ =	sdelay $0x2  }
0x18a: {  	s0 =	sshll.u32 @!p1 s11, $0x8  }
0x18b: {  	s2 =	sshrl.u32 @!p1 s0, $0x2  }
0x18c: {  	[tilespmem:s2+$0x8138] =	vst.add.f32.msk @!p1 $0xffff, v1  }
0x18d: {  	v1 =	vld @!p1 [tilespmem:$0x80D8];
	_ =	sdelay $0x4  }
0x18e: {  	[tilespmem:s2+$0x8148] =	vst.add.f32.msk @!p1 $0xffff, v1  }
0x18f: {  	v1 =	vld @!p1 [tilespmem:$0x80E8];
	_ =	sdelay $0x4  }
0x190: {  	[tilespmem:s2+$0x8158] =	vst.add.f32.msk @!p1 $0xffff, v1  }
0x191: {  	v1 =	vld @!p1 [tilespmem:$0x80F8];
	_ =	sdelay $0x4  }
0x192: {  	[tilespmem:s2+$0x8168] =	vst.add.f32.msk @!p1 $0xffff, v1  }
0x193: {  	s0 =	sshrl.u32 s0, $0x2;
	[tilespmem:s6+$0x8118] =	vst.msk $0x1, v0  }
0x194: {  	v0 =	vld [tilespmem:s0+$0x8138];
	_ =	sdelay $0x2  }
0x195: {  	s31 =	sshll.u32 s6, $0x8  }
0x196: {  	s2 =	sshra.s32 s31, $0x2  }
0x197: {  	[tilespmem:s2+$0x8138] =	vst v0  }
0x198: {  	v0 =	vld [tilespmem:s0+$0x8148];
	_ =	sdelay $0x4  }
0x199: {  	[tilespmem:s2+$0x8148] =	vst v0  }
0x19a: {  	v0 =	vld [tilespmem:s0+$0x8158];
	_ =	sdelay $0x4  }
0x19b: {  	[tilespmem:s2+$0x8158] =	vst v0  }
0x19c: {  	v0 =	vld [tilespmem:s0+$0x8168];
	_ =	sdelay $0x4  }
0x19d: {  	s6 =	sadd.s32 $0x1, s6;
	[tilespmem:s2+$0x8168] =	vst v0  }
.LBB2_39:
0x19e: {  	s11 =	sadd.s32 $0x1, s11  }
0x19f: {  	p1 =	sne.s32 s11, $0x20  }
.Ltmp24:
0x1a0: {  	_ = 	snop;
	(pc) =	sbr.rel @!p1 .LBB2_40-.Ltmp24, $1  }
0x1a1: {  	_ =	sdelay $0x3  }
.LBB2_32:
0x1a2: {  	v0 =	vld.msk [tilespmem:s11+$0x8118], $0x1;
	_ =	sdelay $0x4  }
0x1a3: {  	(v2sf) =	vpush v0, $0x0;
	_ =	sdelay $0xe  }
0x1a4: {  	s0 =	spop (v2sf)  }
0x1a5: {  	p1 =	seq.s32 s0, $0xFFFFFFFF  }
.Ltmp25:
0x1a6: {  	_ = 	snop;
	(pc) =	sbr.rel @p1 .LBB2_39-.Ltmp25, $1  }
0x1a7: {  	_ =	sdelay $0x3  }
0x1a8: {  	p1 =	slt.s32 s6, $0x1  }
.Ltmp26:
0x1a9: {  	_ = 	snop;
	(pc) =	sbr.rel @p1 .LBB2_38-.Ltmp26, $1  }
0x1aa: {  	_ =	sdelay $0x3  }
0x1ab: {  	s2 =	simm.s32 $0x8118;
	p1 =	por $0x0, $0x0  }
0x1ac: {  	v1 =	vld.msk @!p1 [tilespmem:s2+$0x0], $0x1;
	_ =	sdelay $0x4  }
0x1ad: {  	(v2sf) =	vpush @!p1 v1, $0x0;
	_ =	sdelay $0xd  }
0x1ae: {  	p3 =	sne.s32 s6, $0x1  }
.Ltmp27:
0x1af: {  	s3 =	spop @!p1 (v2sf);
	(pc) =	sbr.rel @!p3 .LBB2_36-.Ltmp27, $4  }
0x1b0: {  	p2 =	seq.s32 @!p1 s0, s3  }
0x1b1: {  	s3 =	simm.s32 $0x0;
	p2 =	por !p2, p1  }
0x1b2: {  	s5 =	simm.s32 $0xFFFFFFFF;
	s3 =	simm.s32 @p2 $0xFFFFFFFF  }
0x1b3: {  	s4 =	simm.s32 $0x1;
	s3 =	smov.u32 @p1 s5  }
.LBB2_35:
0x1b4: {  	s5 =	smov.u32 s3;
	p1 =	sne.s32 s3, $0xFFFFFFFF  }
0x1b5: {  	s2 =	sadd.s32 $0x1, s2;
	s3 =	smov.u32 s4;
	s4 =	sadd.s32 $0x1, s4  }
0x1b6: {  	p2 =	sne.s32 s6, s4;
	v1 =	vld.msk @!p1 [tilespmem:s2+$0x0], $0x1;
	_ =	sdelay $0x4  }
0x1b7: {  	(v2sf) =	vpush @!p1 v1, $0x0;
	_ =	sdelay $0xe  }
.Ltmp28:
0x1b8: {  	s12 =	spop @!p1 (v2sf);
	(pc) =	sbr.rel @p2 .LBB2_35-.Ltmp28, $4  }
0x1b9: {  	p3 =	seq.s32 @!p1 s0, s12  }
0x1ba: {  	p3 =	por !p3, p1  }
0x1bb: {  	s3 =	simm.s32 @p3 $0xFFFFFFFF  }
0x1bc: {  	s3 =	smov.u32 @p1 s5  }
.LBB2_36:
0x1bd: {  	p1 =	seq.s32 s3, $0xFFFFFFFF  }
.Ltmp29:
0x1be: {  	_ = 	snop;
	(pc) =	sbr.rel @p1 .LBB2_38-.Ltmp29, $1  }
0x1bf: {  	_ =	sdelay $0x3  }
0x1c0: {  	s0 =	sshll.u32 s11, $0x6  }
0x1c1: {  	s0 =	sand.u32 $0x3FFFFFC0, s0  }
0x1c2: {  	v0 =	vld [tilespmem:s0+$0x8138];
	_ =	sdelay $0x2  }
0x1c3: {  	s2 =	sshll.u32 s3, $0x8  }
0x1c4: {  	s2 =	sshra.s32 s2, $0x2  }
0x1c5: {  	[tilespmem:s2+$0x8138] =	vst.add.f32.msk $0xffff, v0  }
0x1c6: {  	v0 =	vld [tilespmem:s0+$0x8148];
	_ =	sdelay $0x4  }
0x1c7: {  	[tilespmem:s2+$0x8148] =	vst.add.f32.msk $0xffff, v0  }
0x1c8: {  	v0 =	vld [tilespmem:s0+$0x8158];
	_ =	sdelay $0x4  }
0x1c9: {  	[tilespmem:s2+$0x8158] =	vst.add.f32.msk $0xffff, v0  }
0x1ca: {  	v0 =	vld [tilespmem:s0+$0x8168]  }
.Ltmp30:
0x1cb: {  	_ = 	snop;
	(pc) =	sbr.rel .LBB2_39-.Ltmp30, $2  }
0x1cc: {  	_ =	sdelay $0x2  }
0x1cd: {  	[tilespmem:s2+$0x8168] =	vst.add.f32.msk $0xffff, v0  }
.LBB2_40:
0x1ce: {  	s0 =	simm.s32 $0x6;
	p1 =	seq.s32 s6, $0x0  }
0x1cf: {  	[sflag:s0] =	ssyncpa.u1 $0x1;
	v0 =	vimm.s32 @p1 $0xFFFFFFFF  }
0x1d0: {  	s0 =	sadd.s32 $0xFFFFFFFF, s6;
	[tilespmem:$0x8938] =	vst @p1 v0  }
0x1d1: {  	v0 =	vld.msk @!p1 [tilespmem:s0+$0x8118], $0x1;
	_ =	sdelay $0x1  }
0x1d2: {  	v1 =	vld.msk @!p1 [tilespmem:$0x8118], $0x1;
	_ =	sdelay $0x2  }
0x1d3: {  	p2 =	seq.s32 @!p1 s0, $0x0;
	v0 =	vbroadcast @!p1 v0, $0x0  }
0x1d4: {  	vm0 =	vmmov @!p1 $0x1;
	p2 =	por !p2, p1  }
0x1d5: {  	v1 =	vnsel @!p1 vm0, $0xFFFFFFFF, v1;
	vm0 =	vcmask @!p1 $0x308;
	v0 =	vpsel !p2, $0xFFFFFFFF, v0  }
0x1d6: {  	p2 =	sne.s32 @!p1 s8, s7;
	v0 =	vsel @!p1 vm0, v1, v0  }
0x1d7: {  	s2 =	simm.s32 @!p1 $0x8138;
	s3 =	simm.s32 @!p1 $0x0;
	p3 =	por !p2, p1;
	[tilespmem:$0x8938] =	vst @!p1 v0  }
0x1d8: {  	[spmem:s3] =	stream.linear.scatter @!p1 [tilespmem:s2], [sflag:$0x1], $0x40, $0x38;
	[tilespmem:$0x18E48] =	vst v63  }
0x1d9: {  	s2 =	sshll.u32 @!p3 s0, $0x8  }
0x1da: {  	s2 =	sshra.s32 @!p3 s2, $0x2  }
0x1db: {  	s3 =	simm.s32 @!p3 $0x40;
	s2 =	sadd.s32 @!p3 $0x8138, s2  }
0x1dc: {  	[spmem:s3] =	stream.linear.scatter @!p3 [tilespmem:s2], [sflag:$0x1], $0x40, $0x38;
	[tilespmem:$0x18E48] =	vst v63  }
0x1dd: {  	s2 =	simm.s32 @!p3 $0x1  }
0x1de: {  	_ =	swait.ge @!p3 [sflag:s2], $0x80  }
0x1df: {  	p1 =	por p2, p1;
	[sflag:s2] =	ssyncset.done @!p3 $0x0  }
0x1e0: {  	[sflag:s2] =	ssyncadd.s32 @!p3 $0xFFFFFF80;
	s2 =	simm.s32 @!p1 $0x1  }
0x1e1: {  	_ =	swait.ge @!p1 [sflag:s2], $0x40  }
0x1e2: {  	s29 =	simm.s32 $0x8938;
	[sflag:s2] =	ssyncset.done @!p1 $0x0  }
0x1e3: {  	s30 =	simm.s32 $0x800;
	s31 =	simm.s32 $0x1;
	[sflag:s2] =	ssyncadd.s32 @!p1 $0xFFFFFFC0  }
0x1e4: {  	[spmem:s30] =	stream.linear.scatter [tilespmem:s29], [sflag:$0x1], $0x10, $0x38;
	[tilespmem:$0x18E48] =	vst v63  }
0x1e5: {  	_ =	swait.ge [sflag:s31], $0x10  }
0x1e6: {  	[sflag:s31] =	ssyncset.done $0x0  }
0x1e7: {  	p1 =	seq.s32 s13, $0x0;
	s9 =	rddreg [dreg:$0x2];
	[sflag:s31] =	ssyncadd.s32 $0xFFFFFFF0  }
0x1e8: {  	s3 =	sshll.u32 @p1 s9, $0xE;
	s8 =	rddreg [dreg:$0x3]  }
0x1e9: {  	s2 =	sadd.s32 @p1 $0x15C3C, s3;
	s3 =	sshll.u32 @p1 s8, $0x11  }
0x1ea: {  	_ =	sfence.stream.spmem;
	s2 =	sor.u32 @p1 s3, s2  }
0x1eb: {  	[sflag:s2] =	ssyncadd.remote.s32 @p1 $0x1;
	s2 =	simm.s32 @p1 $0x4  }
0x1ec: {  	s4 =	simm.s32 @!p1 $0x3C;
	s3 =	sand.u32 $0xFFFFFFFE, s9;
	_ =	swait.ge @p1 [sflag:s2], $0x12  }
0x1ed: {  	s5 =	simm.s32 @!p1 $0x0;
	s3 =	sadd.s32 @!p1 $0x4, s3;
	[sflag:s2] =	ssyncset.done @p1 $0x0  }
0x1ee: {  	s7 =	simm.s32 @!p1 $0x80;
	[sflag:s2] =	ssyncadd.s32 @p1 $0xFFFFFFEE;
	s2 =	sshll.u32 @!p1 s3, $0x1A  }
0x1ef: {  	s3 =	sshll.u32 @!p1 s3, $0xD;
	s2 =	sor.u32 @!p1 s2, s8;
	_ =	swait.eq @!p1 [sflag:s4], $0x1  }
0x1f0: {  	s3 =	sor.u32 @!p1 $0x1C04, s3;
	s4 =	simm.s32 @!p1 $0x1C03;
	s2 =	sor.u32 @!p1 $0x80004000, s2  }
0x1f1: {  	[spmem:s7], [sflag:s3] =	dma.general @!p1 [spmem:s5], [sflag:s4], length:$0x10, [dreg:$0x0], stride_count:$0x0, ici_dest:s2, dma_misc:DstOpCode:WRITE  }
0x1f2: {  	p2 =	slt.s32 s0, $0x2;
	s5 =	simm.s32 @!p1 $0x100;
	s7 =	simm.s32 @!p1 $0x102  }
0x1f3: {  	[spmem:s7], [sflag:s3] =	dma.general @!p1 [spmem:s5], [sflag:s4], length:$0x2, [dreg:$0x0], stride_count:$0x0, ici_dest:s2, dma_misc:DstOpCode:WRITE  }
.Ltmp31:
0x1f4: {  	s2 =	simm.s32 @!p1 $0x3;
	(pc) =	sbr.rel @p2 .LBB2_44-.Ltmp31, $4  }
0x1f5: {  	s3 =	sshll.u32 @!p1 s9, $0xE;
	_ =	swait.ge @!p1 [sflag:s2], $0x12  }
0x1f6: {  	s4 =	sshll.u32 @!p1 s8, $0x11;
	s3 =	sadd.s32 @!p1 $0x11C3C, s3;
	[sflag:s2] =	ssyncset.done @!p1 $0x0  }
0x1f7: {  	[sflag:s2] =	ssyncadd.s32 @!p1 $0xFFFFFFEE;
	s2 =	sor.u32 @!p1 s4, s3  }
0x1f8: {  	s0 =	simm.s32 $0x0;
	[sflag:s2] =	ssyncadd.remote.s32 @!p1 $0xFFFFFFFF  }
0x1f9: {  	s0 =	simm.s32 $0x8119  }
0x1fa: {  	v0 =	vld.msk [tilespmem:s0+$0x0], $0x1;
	_ =	sdelay $0x4  }
0x1fb: {  	(v2sf) =	vpush v0, $0x0;
	_ =	sdelay $0xc  }
0x1fc: {  	s2 =	sadd.s32 $0xFFFFFFFE, s6  }
0x1fd: {  	s2 =	sadd.s32 $0xFFFFFFFF, s2  }
0x1fe: {  	p2 =	sne.s32 s2, $0x0;
	s3 =	spop (v2sf)  }
.Ltmp32:
0x1ff: {  	p1 =	sgt.u32 s3, $0x678;
	(pc) =	sbr.rel @!p2 .LBB2_43-.Ltmp32, $4  }
0x200: {  	s5 =	simm.s32 $0x0;
	s4 =	sand.u32 @!p1 $0x7F8, s3  }
0x201: {  	s0 =	simm.s32 $0x8178;
	s3 =	sand.u32 @!p1 $0x7, s3;
	s4 =	sadd.s32 @!p1 s1, s4  }
0x202: {  	[hbm4b:s4+s3] =	stream.linear.scatter @!p1 [tilespmem:s0], [sflag:$0x5], $0x40, $0x38;
	[tilespmem:$0x18E48] =	vst v63  }
0x203: {  	s5 =	simm.s32 @!p1 $0x100;
	s3 =	simm.s32 $0x0;
	s4 =	simm.s32 $0x811A  }
.LBB2_42:
0x204: {  	v0 =	vld.msk [tilespmem:s4+$0x0], $0x1;
	s2 =	sadd.s32 $0xFFFFFFFF, s2;
	s3 =	sadd.s32 s3, s5  }
0x205: {  	p1 =	sne.s32 s2, $0x0;
	_ =	sdelay $0x3  }
0x206: {  	(v2sf) =	vpush v0, $0x0;
	_ =	sdelay $0xe  }
.Ltmp33:
0x207: {  	s6 =	spop (v2sf);
	(pc) =	sbr.rel @p1 .LBB2_42-.Ltmp33, $4  }
0x208: {  	s5 =	simm.s32 $0x0;
	p2 =	sgt.u32 s6, $0x678  }
0x209: {  	s0 =	sadd.s32 $0x40, s0;
	s5 =	simm.s32 @!p2 $0x100;
	s7 =	sand.u32 @!p2 $0x7F8, s6  }
0x20a: {  	s4 =	sadd.s32 $0x1, s4;
	s6 =	sand.u32 @!p2 $0x7, s6;
	s7 =	sadd.s32 @!p2 s1, s7  }
0x20b: {  	[hbm4b:s7+s6] =	stream.linear.scatter @!p2 [tilespmem:s0], [sflag:$0x5], $0x40, $0x38;
	[tilespmem:$0x18E48] =	vst v63  }
.LBB2_43:
0x20c: {  	s0 =	sadd.s32 s3, s5  }
0x20d: {  	s0 =	sshrl.u32 s0, $0x2  }
.LBB2_44:
0x20e: {  	s2 =	simm.s32 $0x5  }
0x20f: {  	_ =	swait.ge [sflag:s2], s0  }
0x210: {  	s31 =	ssub.s32 $0x0, s0;
	[sflag:s2] =	ssyncset.done $0x0  }
0x211: {  	[sflag:s2] =	ssyncadd.s32 s31  }
0x212: {  	[sflag:s2] =	ssyncpa.u1 $0x1  }
.LBB2_45:
0x213: {  	s0 =	sor.u32 s13, s14  }
0x214: {  	p1 =	sne.s32 s0, $0x0  }
.Ltmp34:
0x215: {  	_ = 	snop;
	(pc) =	sbr.rel @p1 .LBB2_60-.Ltmp34, $3  }
0x216: {  	_ =	sdelay $0x1  }
0x217: {  	[bflag:$0x0] =	sbarrier.arrive $0xFFFF  }
0x218: {  	_ =	sfence  }
0x219: {  	s0 =	simm.s32 $0x7  }
0x21a: {  	s2 =	simm.s32 $0x800;
	s3 =	simm.s32 $0x8118;
	[sflag:s0] =	ssyncpa.u1 $0x0  }
0x21b: {  	[tilespmem:s3], [sflag:$0x7] =	stream.linear.gather [spmem:s2], $0x20, $0x38;
	[tilespmem:$0x18E48] =	vst v63  }
0x21c: {  	s30 =	simm.s32 $0x8138;
	s2 =	simm.s32 $0x0  }
0x21d: {  	[tilespmem:s30], [sflag:$0x7] =	stream.linear.gather [spmem:s2], $0x800, $0x38;
	[tilespmem:$0x18E48] =	vst v63  }
.Ltmp35:
0x21e: {  	_ = 	snop;
	(pc) =	sbr.rel .LBB2_47-.Ltmp35, $4  }
0x21f: {  	_ =	swait.ge [sflag:s0], $0x820  }
0x220: {  	[sflag:s0] =	ssyncset.done $0x0  }
0x221: {  	s31 =	simm.s32 $0x8;
	[sflag:s0] =	ssyncadd.s32 $0xFFFFF7E0  }
0x222: {  	s3 =	simm.s32 $0x0;
	[sflag:s31] =	ssyncpa.u1 $0x0  }
.LBB2_53:
0x223: {  	p1 =	slt.u32 s0, $0x679  }
0x224: {  	s4 =	sand.u32 @p1 $0x7F8, s0  }
0x225: {  	s0 =	sand.u32 @p1 $0x7, s0;
	s5 =	simm.s32 @p1 $0x80C8;
	s4 =	sadd.s32 @p1 s1, s4  }
0x226: {  	[tilespmem:s5], [sflag:$0x8] =	stream.linear.gather @p1 [hbm4b:s4+s0], $0x40, $0x38;
	[tilespmem:$0x18E48] =	vst v63  }
0x227: {  	s0 =	simm.s32 @p1 $0x8  }
0x228: {  	_ =	swait.ge @p1 [sflag:s0], $0x40  }
0x229: {  	[sflag:s0] =	ssyncset.done @p1 $0x0  }
0x22a: {  	[sflag:s0] =	ssyncadd.s32 @p1 $0xFFFFFFC0  }
0x22b: {  	v1 =	vld @p1 [tilespmem:$0x80C8];
	_ =	sdelay $0x2  }
0x22c: {  	s0 =	sshll.u32 @p1 s3, $0x8  }
0x22d: {  	s4 =	sshrl.u32 @p1 s0, $0x2  }
0x22e: {  	[tilespmem:s4+$0x8138] =	vst.add.f32.msk @p1 $0xffff, v1  }
0x22f: {  	v1 =	vld @p1 [tilespmem:$0x80D8];
	_ =	sdelay $0x4  }
0x230: {  	[tilespmem:s4+$0x8148] =	vst.add.f32.msk @p1 $0xffff, v1  }
0x231: {  	v1 =	vld @p1 [tilespmem:$0x80E8];
	_ =	sdelay $0x4  }
0x232: {  	[tilespmem:s4+$0x8158] =	vst.add.f32.msk @p1 $0xffff, v1  }
0x233: {  	v1 =	vld @p1 [tilespmem:$0x80F8];
	_ =	sdelay $0x3  }
0x234: {  	s5 =	sshll.u32 @!p1 s3, $0x8  }
0x235: {  	s5 =	smov.u32 @p1 s0;
	[tilespmem:s4+$0x8168] =	vst.add.f32.msk @p1 $0xffff, v1  }
0x236: {  	s0 =	sshrl.u32 s5, $0x2;
	[tilespmem:s2+$0x8118] =	vst.msk $0x1, v0  }
0x237: {  	v0 =	vld [tilespmem:s0+$0x8138];
	_ =	sdelay $0x2  }
0x238: {  	s31 =	sshll.u32 s2, $0x8  }
0x239: {  	s4 =	sshra.s32 s31, $0x2  }
0x23a: {  	[tilespmem:s4+$0x8138] =	vst v0  }
0x23b: {  	v0 =	vld [tilespmem:s0+$0x8148];
	_ =	sdelay $0x4  }
0x23c: {  	[tilespmem:s4+$0x8148] =	vst v0  }
0x23d: {  	v0 =	vld [tilespmem:s0+$0x8158];
	_ =	sdelay $0x4  }
0x23e: {  	[tilespmem:s4+$0x8158] =	vst v0  }
0x23f: {  	v0 =	vld [tilespmem:s0+$0x8168];
	_ =	sdelay $0x4  }
0x240: {  	s2 =	sadd.s32 $0x1, s2;
	[tilespmem:s4+$0x8168] =	vst v0  }
.LBB2_54:
0x241: {  	s3 =	sadd.s32 $0x1, s3  }
0x242: {  	p1 =	sne.s32 s3, $0x20  }
.Ltmp36:
0x243: {  	_ = 	snop;
	(pc) =	sbr.rel @!p1 .LBB2_55-.Ltmp36, $1  }
0x244: {  	_ =	sdelay $0x3  }
.LBB2_47:
0x245: {  	v0 =	vld.msk [tilespmem:s3+$0x8118], $0x1;
	_ =	sdelay $0x4  }
0x246: {  	(v2sf) =	vpush v0, $0x0;
	_ =	sdelay $0xe  }
0x247: {  	s0 =	spop (v2sf)  }
0x248: {  	p1 =	seq.s32 s0, $0xFFFFFFFF  }
.Ltmp37:
0x249: {  	_ = 	snop;
	(pc) =	sbr.rel @p1 .LBB2_54-.Ltmp37, $1  }
0x24a: {  	_ =	sdelay $0x3  }
0x24b: {  	p1 =	slt.s32 s2, $0x1  }
.Ltmp38:
0x24c: {  	_ = 	snop;
	(pc) =	sbr.rel @p1 .LBB2_53-.Ltmp38, $1  }
0x24d: {  	_ =	sdelay $0x3  }
0x24e: {  	s4 =	simm.s32 $0x8118;
	p1 =	por $0x0, $0x0  }
0x24f: {  	v1 =	vld.msk @!p1 [tilespmem:s4+$0x0], $0x1;
	_ =	sdelay $0x4  }
0x250: {  	(v2sf) =	vpush @!p1 v1, $0x0;
	_ =	sdelay $0xd  }
0x251: {  	p3 =	sne.s32 s2, $0x1  }
.Ltmp39:
0x252: {  	s5 =	spop @!p1 (v2sf);
	(pc) =	sbr.rel @!p3 .LBB2_51-.Ltmp39, $4  }
0x253: {  	p2 =	seq.s32 @!p1 s0, s5  }
0x254: {  	s5 =	simm.s32 $0x0;
	p2 =	por !p2, p1  }
0x255: {  	s7 =	simm.s32 $0xFFFFFFFF;
	s5 =	simm.s32 @p2 $0xFFFFFFFF  }
0x256: {  	s6 =	simm.s32 $0x1;
	s5 =	smov.u32 @p1 s7  }
.LBB2_50:
0x257: {  	s7 =	smov.u32 s5;
	p1 =	sne.s32 s5, $0xFFFFFFFF  }
0x258: {  	s4 =	sadd.s32 $0x1, s4;
	s5 =	smov.u32 s6;
	s6 =	sadd.s32 $0x1, s6  }
0x259: {  	p2 =	sne.s32 s2, s6;
	v1 =	vld.msk @!p1 [tilespmem:s4+$0x0], $0x1;
	_ =	sdelay $0x4  }
0x25a: {  	(v2sf) =	vpush @!p1 v1, $0x0;
	_ =	sdelay $0xe  }
.Ltmp40:
0x25b: {  	s8 =	spop @!p1 (v2sf);
	(pc) =	sbr.rel @p2 .LBB2_50-.Ltmp40, $4  }
0x25c: {  	p3 =	seq.s32 @!p1 s0, s8  }
0x25d: {  	p3 =	por !p3, p1  }
0x25e: {  	s5 =	simm.s32 @p3 $0xFFFFFFFF  }
0x25f: {  	s5 =	smov.u32 @p1 s7  }
.LBB2_51:
0x260: {  	p1 =	seq.s32 s5, $0xFFFFFFFF  }
.Ltmp41:
0x261: {  	_ = 	snop;
	(pc) =	sbr.rel @p1 .LBB2_53-.Ltmp41, $1  }
0x262: {  	_ =	sdelay $0x3  }
0x263: {  	s0 =	sshll.u32 s3, $0x6  }
0x264: {  	s0 =	sand.u32 $0x3FFFFFC0, s0  }
0x265: {  	v0 =	vld [tilespmem:s0+$0x8138];
	_ =	sdelay $0x2  }
0x266: {  	s4 =	sshll.u32 s5, $0x8  }
0x267: {  	s4 =	sshra.s32 s4, $0x2  }
0x268: {  	[tilespmem:s4+$0x8138] =	vst.add.f32.msk $0xffff, v0  }
0x269: {  	v0 =	vld [tilespmem:s0+$0x8148];
	_ =	sdelay $0x4  }
0x26a: {  	[tilespmem:s4+$0x8148] =	vst.add.f32.msk $0xffff, v0  }
0x26b: {  	v0 =	vld [tilespmem:s0+$0x8158];
	_ =	sdelay $0x4  }
0x26c: {  	[tilespmem:s4+$0x8158] =	vst.add.f32.msk $0xffff, v0  }
0x26d: {  	v0 =	vld [tilespmem:s0+$0x8168]  }
.Ltmp42:
0x26e: {  	_ = 	snop;
	(pc) =	sbr.rel .LBB2_54-.Ltmp42, $2  }
0x26f: {  	_ =	sdelay $0x2  }
0x270: {  	[tilespmem:s4+$0x8168] =	vst.add.f32.msk $0xffff, v0  }
.LBB2_55:
0x271: {  	p1 =	slt.s32 s2, $0x1  }
.Ltmp43:
0x272: {  	_ = 	snop;
	(pc) =	sbr.rel @p1 .LBB2_59-.Ltmp43, $3  }
0x273: {  	_ =	sdelay $0x1  }
0x274: {  	s0 =	simm.s32 $0x8  }
0x275: {  	[sflag:s0] =	ssyncpa.u1 $0x1;
	s0 =	simm.s32 $0x0  }
0x276: {  	s3 =	simm.s32 $0x8118  }
0x277: {  	v0 =	vld.msk [tilespmem:s3+$0x0], $0x1;
	_ =	sdelay $0x4  }
0x278: {  	(v2sf) =	vpush v0, $0x0;
	_ =	sdelay $0xe  }
0x279: {  	s2 =	sadd.s32 $0xFFFFFFFF, s2;
	s4 =	spop (v2sf)  }
0x27a: {  	p2 =	sne.s32 s2, $0x0;
	p1 =	sgt.u32 s4, $0x678  }
.Ltmp44:
0x27b: {  	s5 =	sand.u32 @!p1 $0x7F8, s4;
	(pc) =	sbr.rel @!p2 .LBB2_58-.Ltmp44, $4  }
0x27c: {  	s3 =	simm.s32 $0x8138;
	s4 =	sand.u32 @!p1 $0x7, s4;
	s5 =	sadd.s32 @!p1 s1, s5  }
0x27d: {  	[hbm4b:s5+s4] =	stream.linear.scatter @!p1 [tilespmem:s3], [sflag:$0x7], $0x40, $0x38;
	[tilespmem:$0x18E48] =	vst v63  }
0x27e: {  	s5 =	simm.s32 $0x0  }
0x27f: {  	s4 =	simm.s32 $0x8119;
	s5 =	simm.s32 @!p1 $0x100  }
.LBB2_57:
0x280: {  	v0 =	vld.msk [tilespmem:s4+$0x0], $0x1;
	s2 =	sadd.s32 $0xFFFFFFFF, s2;
	s0 =	sadd.s32 s0, s5  }
0x281: {  	p1 =	sne.s32 s2, $0x0;
	_ =	sdelay $0x3  }
0x282: {  	(v2sf) =	vpush v0, $0x0;
	_ =	sdelay $0xe  }
.Ltmp45:
0x283: {  	s6 =	spop (v2sf);
	(pc) =	sbr.rel @p1 .LBB2_57-.Ltmp45, $4  }
0x284: {  	s5 =	simm.s32 $0x0;
	p2 =	sgt.u32 s6, $0x678  }
0x285: {  	s3 =	sadd.s32 $0x40, s3;
	s5 =	simm.s32 @!p2 $0x100;
	s7 =	sand.u32 @!p2 $0x7F8, s6  }
0x286: {  	s4 =	sadd.s32 $0x1, s4;
	s6 =	sand.u32 @!p2 $0x7, s6;
	s7 =	sadd.s32 @!p2 s1, s7  }
0x287: {  	[hbm4b:s7+s6] =	stream.linear.scatter @!p2 [tilespmem:s3], [sflag:$0x7], $0x40, $0x38;
	[tilespmem:$0x18E48] =	vst v63  }
.LBB2_58:
0x288: {  	s0 =	sadd.s32 s0, s5  }
0x289: {  	s0 =	sshrl.u32 s0, $0x2  }
.LBB2_59:
0x28a: {  	s1 =	simm.s32 $0x7  }
0x28b: {  	_ =	swait.ge [sflag:s1], s0  }
0x28c: {  	s31 =	ssub.s32 $0x0, s0;
	[sflag:s1] =	ssyncset.done $0x0  }
0x28d: {  	[sflag:s1] =	ssyncadd.s32 s31  }
0x28e: {  	[sflag:s1] =	ssyncpa.u1 $0x1  }
.LBB2_60:
0x28f: {  	_ =	sfence;
	s0 =	simm.s32 $0x1  }
0x290: {  	[sflag:s0] =	ssyncpa.u1 $0x1  }
0x291: {  	_ =	strace $0x90000047  }
0x292: {  	[bflag:$0x2] =	sbarrier.arrive $0xFFFF  }
0x293: {  	s0 =	rddreg [dreg:$0x4]  }
0x294: {  	s0 =	sadd.s32 @!p0 $0x100000, s0  }
0x295: {  	[sflag:s0] =	ssyncadd.tile.s32 @!p0 $0x1;
	_ =	shalt  }
.Lfunc_end2:
_tile_overlayer_lowered:
.L_overlay_start_2:
0x296: {  	(tag) =	ssettag $0x2  }
0x297: {  	s0 =	rddreg [dreg:$0x0];
	s2 =	stileid.u32  }
0x298: {  	s1 =	rddreg [dreg:$0x1];
	p0 =	sne.s32 s2, $0x0  }
0x299: {  	s3 =	rddreg [dreg:$0x2];
	[bflag:$0x3] =	sbarrier.arrive $0xFFFF;
	s2 =	simm.s32 @!p0 $0x1C01  }
0x29a: {  	[timem:s3], [sflag:s2] =	dma.local @!p0 [hbm:s0], s1  }
0x29b: {  	s0 =	simm.s32 @!p0 $0x1  }
0x29c: {  	_ =	swait.ge @!p0 [sflag:s0], s1  }
0x29d: {  	s1 =	ssub.s32 @!p0 $0x0, s1;
	[sflag:s0] =	ssyncset.done @!p0 $0x0  }
0x29e: {  	[sflag:s0] =	ssyncadd.s32 @!p0 s1  }
0x29f: {  	[bflag:$0x3] =	sbarrier.arrive $0xFFFF  }
0x2a0: {  	_ =	shalt  }

</sc_bundles>
